<compile_context>
chip_gen: v7x
topology: tpu7x:2x2x1
jax: 0.10.2.dev20260603
libtpu: 0.0.44.dev20260713+nightly
codegen_flags: <defaults>
</compile_context>

<pallas_src>
import functools

import jax
import jax.numpy as jnp
from jax import lax
from jax.experimental import pallas as pl
from jax.experimental.pallas import tpu as pltpu
from jax.experimental.pallas import tpu_sc as plsc

N = 10000
E = 320000
D = 128
BOT = 32
NTAB = 10240
DUMMY = 10000
BLK = 5120
GRID = NTAB // BLK

NC = 2
NS = 16
NWORK = NC * NS
CH = 128
STEPS = 80
EPAD = NWORK * STEPS * CH
RPT = NTAB // NS


def _mm(a, b):
    return jax.lax.dot(a, b, precision=jax.lax.Precision.DEFAULT,
                       preferred_element_type=jnp.float32)



def _tc1_body(x_ref, fw_ref, fb_ref, w0_ref, b0_ref, w1_ref, b1_ref,
              pre1_ref, tab_ref):
    fe = jnp.maximum(_mm(x_ref[...], fw_ref[...]) + fb_ref[...], 0.0)
    pre1_ref[...] = _mm(fe, w1_ref[...][8:8 + D]) + b1_ref[...]
    tab_ref[...] = jnp.maximum(_mm(fe, w0_ref[...][8:]) + b0_ref[...], 0.0)


def _tc1(x, fenc_W, fenc_b, ae0_W, ae0_b, ae1_W, ae1_b):
    full = lambda *s: pl.BlockSpec(s, lambda i: (0,) * len(s))
    return pl.pallas_call(
        _tc1_body,
        grid=(GRID,),
        in_specs=[
            pl.BlockSpec((BLK, D), lambda i: (i, 0)),
            full(D, D), full(D), full(8 + D, BOT), full(BOT),
            full(8 + D + BOT, BOT), full(BOT),
        ],
        out_specs=[
            pl.BlockSpec((BLK, BOT), lambda i: (i, 0)),
            pl.BlockSpec((BLK, BOT), lambda i: (i, 0)),
        ],
        out_shape=[
            jax.ShapeDtypeStruct((NTAB, BOT), jnp.float32),
            jax.ShapeDtypeStruct((NTAB, BOT), jnp.float32),
        ],
    )(x, fenc_W, fenc_b, ae0_W, ae0_b, ae1_W, ae1_b)



def _sc_body(tab_hbm, src_hbm, dst_hbm, out_hbm, outc_hbm,
             src_v, dst_v, rows_v, buf_v, cbuf_v, ones_v,
             agg_s, tab_s, cnt_s, sem, sem2):
    c = lax.axis_index("c")
    s = lax.axis_index("s")
    wid = s * NC + c
    my_base = s * RPT

    pltpu.async_copy(src_hbm.at[wid], src_v, sem)
    pltpu.async_copy(dst_hbm.at[wid], dst_v, sem2)
    pltpu.sync_copy(tab_hbm.at[pl.ds(my_base, RPT)],
                    tab_s.at[pl.ds(my_base, RPT)])

    def fill(i, _):
        ones_v[pl.ds(i * 16, 16)] = jnp.ones((16,), jnp.float32)
        return 0
    lax.fori_loop(0, CH // 16, fill, 0)

    def zcrow(i, _):
        cbuf_v[pl.ds(i * 16, 16)] = jnp.zeros((16,), jnp.float32)
        return 0
    lax.fori_loop(0, RPT // 16, zcrow, 0)
    pltpu.sync_copy(cbuf_v, cnt_s.at[pl.ds(my_base, RPT)])

    def zrow(i, _):
        buf_v[i, pl.ds(0, 16)] = jnp.zeros((16,), jnp.float32)
        buf_v[i, pl.ds(16, 16)] = jnp.zeros((16,), jnp.float32)
        return 0
    lax.fori_loop(0, CH, zrow, 0)

    def zslice(k, _):
        pltpu.sync_copy(buf_v, agg_s.at[pl.ds(my_base + k * CH, CH)])
        return 0
    lax.fori_loop(0, RPT // CH, zslice, 0)

    pltpu.make_async_copy(src_hbm.at[wid], src_v, sem).wait()
    pltpu.make_async_copy(dst_hbm.at[wid], dst_v, sem2).wait()
    plsc.subcore_barrier()

    def start(jj, buf, s_):
        pltpu.async_copy(tab_s.at[src_v.at[jj]], buf, s_)

    def drain(buf, s_):
        pltpu.make_async_copy(tab_hbm.at[pl.ds(0, CH)], buf, s_).wait()

    start(0, rows_v, sem)
    start(1, buf_v, sem2)

    def step2(i, _):
        j = 2 * i

        def half(jj, buf, s_):
            drain(buf, s_)
            pltpu.sync_copy(buf, agg_s.at[dst_v.at[jj]], add=True)
            pltpu.sync_copy(ones_v, cnt_s.at[dst_v.at[jj]], add=True)

            @pl.when(jj + 2 < STEPS)
            def _():
                start(jj + 2, buf, s_)

        half(j, rows_v, sem)
        half(j + 1, buf_v, sem2)
        return 0
    lax.fori_loop(0, STEPS // 2, step2, 0)
    plsc.subcore_barrier()

    pltpu.sync_copy(agg_s.at[pl.ds(my_base, RPT)],
                    out_hbm.at[c].at[pl.ds(my_base, RPT)])
    pltpu.sync_copy(cnt_s.at[pl.ds(my_base, RPT)],
                    outc_hbm.at[c].at[pl.ds(my_base, RPT)])


def _sc_segsum(tab, srcI, dstI):
    call = functools.partial(
        pl.kernel,
        out_type=[
            jax.ShapeDtypeStruct((NC, NTAB, BOT), jnp.float32),
            jax.ShapeDtypeStruct((NC, NTAB), jnp.float32),
        ],
        mesh=plsc.VectorSubcoreMesh(
            core_axis_name="c", subcore_axis_name="s",
            num_cores=NC, num_subcores=NS),
        scratch_types=[
            pltpu.VMEM((STEPS, CH), jnp.int32),
            pltpu.VMEM((STEPS, CH), jnp.int32),
            pltpu.VMEM((CH, BOT), jnp.float32),
            pltpu.VMEM((CH, BOT), jnp.float32),
            pltpu.VMEM((RPT,), jnp.float32),
            pltpu.VMEM((CH,), jnp.float32),
            pltpu.VMEM_SHARED((NTAB, BOT), jnp.float32),
            pltpu.VMEM_SHARED((NTAB, BOT), jnp.float32),
            pltpu.VMEM_SHARED((NTAB,), jnp.float32),
            pltpu.SemaphoreType.DMA,
            pltpu.SemaphoreType.DMA,
        ],
        compiler_params=pltpu.CompilerParams(use_tc_tiling_on_sc=False),
    )(_sc_body)
    return call(tab, srcI, dstI)



def _tc2_body(pre1_ref, parts_ref, cnts_ref, sW, sb, w1_ref, dW, db,
              pW, pb, fW, fb, out_ref):
    p = parts_ref[...]
    agg = p[0] + p[1]
    cn = cnts_ref[...]
    cnt = cn[0] + cn[1]
    mean = agg / jnp.maximum(cnt, 1.0)
    summ = jnp.maximum(_mm(mean, sW[...]) + sb[...], 0.0)
    bn1 = jnp.maximum(pre1_ref[...] + _mm(summ, w1_ref[...][8 + D:]), 0.0)
    rec1 = jnp.maximum(_mm(bn1, dW[...]) + db[...], 0.0)
    proj = jnp.maximum(_mm(rec1, pW[...]) + pb[...], 0.0)
    out_ref[...] = _mm(proj, fW[...]) + fb[...]


def _tc2(pre1, parts, cnts, sW, sb, ae1_W, dW, db, pW, pb, fW, fb):
    full = lambda *s: pl.BlockSpec(s, lambda i: (0,) * len(s))
    return pl.pallas_call(
        _tc2_body,
        grid=(GRID,),
        in_specs=[
            pl.BlockSpec((BLK, BOT), lambda i: (i, 0)),
            pl.BlockSpec((NC, BLK, BOT), lambda i: (0, i, 0)),
            pl.BlockSpec((NC, BLK, 1), lambda i: (0, i, 0)),
            full(BOT, BOT), full(BOT),
            full(8 + D + BOT, BOT),
            full(BOT, 168), full(168),
            full(168, D), full(D),
            full(D, D), full(D),
        ],
        out_specs=pl.BlockSpec((BLK, D), lambda i: (i, 0)),
        out_shape=jax.ShapeDtypeStruct((N, D), jnp.float32),
    )(pre1, parts, cnts, sW, sb, ae1_W, dW, db, pW, pb, fW, fb)



def kernel(x, edge_index, fenc_W, fenc_b, ae0_enc_W, ae0_enc_b, summ_W, summ_b,
           ae1_enc_W, ae1_enc_b, ae1_dec_W, ae1_dec_b, proj_W, proj_b,
           fdec_W, fdec_b):
    pre1, tab = _tc1(x, fenc_W, fenc_b, ae0_enc_W, ae0_enc_b,
                     ae1_enc_W, ae1_enc_b)

    pad = jnp.full((EPAD - E,), DUMMY, jnp.int32)
    srcI = jnp.concatenate([edge_index[0], pad]).reshape(NWORK, STEPS, CH)
    dstI = jnp.concatenate([edge_index[1], pad]).reshape(NWORK, STEPS, CH)
    parts, cnts = _sc_segsum(tab, srcI, dstI)

    out = _tc2(pre1, parts, cnts.reshape(NC, NTAB, 1),
               summ_W, summ_b, ae1_enc_W,
               ae1_dec_W, ae1_dec_b, proj_W, proj_b, fdec_W, fdec_b)
    return out

# --- scband reference (transcript-rebuilt; emitter-appended) ---
"""Pipeline reference for scband-graph-autoencoder-14156212208321 (READ-ONLY COPY).

The authoritative reference and input builder live on the scoring server;
editing this copy changes nothing except your own understanding.
"""

import jax, jax.numpy as jnp
import numpy as np

N = 10000
E = 320000
D = 128      # d_feat / field encoder output
BASE = 8     # base_entity_representation_size
BOT = 32     # autoencoder bottleneck
PROJ = 128   # projected_size
BND = BASE + D          # depth-0 boundary size = 136
BND1 = BND + BOT        # depth-1 boundary size (one relation field) = 168


def _w(k, shape, scale=0.05):
    return jax.random.normal(k, shape, dtype=jnp.float32) * scale


def setup_inputs(seed: int = 0) -> dict:
    key = jax.random.key(seed)
    ks = jax.random.split(key, 18)
    inp = {}
    inp["x"] = jax.random.normal(ks[0], (N, D), dtype=jnp.float32)
    inp["edge_index"] = jax.random.randint(ks[1], (2, E), 0, N, dtype=jnp.int32)
    # field encoder (MLP d_feat -> D)
    inp["fenc_W"] = _w(ks[2], (D, D)); inp["fenc_b"] = jnp.zeros((D,), jnp.float32)
    # depth-0 entity autoencoder encode (boundary -> bottleneck)
    inp["ae0_enc_W"] = _w(ks[3], (BND, BOT)); inp["ae0_enc_b"] = jnp.zeros((BOT,), jnp.float32)
    # relation source summarizer MLP (bottleneck -> bottleneck)
    inp["summ_W"] = _w(ks[4], (BOT, BOT)); inp["summ_b"] = jnp.zeros((BOT,), jnp.float32)
    # depth-1 entity autoencoder (boundary+bottleneck -> bottleneck -> back)
    inp["ae1_enc_W"] = _w(ks[5], (BND1, BOT)); inp["ae1_enc_b"] = jnp.zeros((BOT,), jnp.float32)
    inp["ae1_dec_W"] = _w(ks[6], (BOT, BND1)); inp["ae1_dec_b"] = jnp.zeros((BND1,), jnp.float32)
    # MLP projector (depth-1 boundary -> projected_size)
    inp["proj_W"] = _w(ks[7], (BND1, PROJ)); inp["proj_b"] = jnp.zeros((PROJ,), jnp.float32)
    # field decoder (projected -> d_feat reconstruction)
    inp["fdec_W"] = _w(ks[8], (PROJ, D)); inp["fdec_b"] = jnp.zeros((D,), jnp.float32)
    return inp


def reference(x, edge_index, fenc_W, fenc_b, ae0_enc_W, ae0_enc_b, summ_W, summ_b,
              ae1_enc_W, ae1_enc_b, ae1_dec_W, ae1_dec_b, proj_W, proj_b, fdec_W, fdec_b):
    n = x.shape[0]
    # field encoding + base entity representation -> depth-0 boundary
    fe = jax.nn.relu(x @ fenc_W + fenc_b)
    b0 = jnp.concatenate([jnp.zeros((n, BASE), jnp.float32), fe], axis=1)
    # depth-0 autoencoder bottleneck
    bn0 = jax.nn.relu(b0 @ ae0_enc_W + ae0_enc_b)
    # relation summarization: mean of neighbor (source) bottlenecks per dst node
    src = edge_index[0]
    dst = edge_index[1]
    msgs = jnp.take(bn0, src, axis=0)                                   # gather  [E, BOT]
    agg = jax.ops.segment_sum(msgs, dst, num_segments=n)                # scatter-add
    cnt = jax.ops.segment_sum(jnp.ones((msgs.shape[0],), jnp.float32), dst, num_segments=n)
    mean = agg / jnp.clip(cnt, 1.0)[:, None]
    summ = jax.nn.relu(mean @ summ_W + summ_b)
    # depth-1 boundary = depth-0 boundary ++ relation summary
    b1 = jnp.concatenate([b0, summ], axis=1)
    bn1 = jax.nn.relu(b1 @ ae1_enc_W + ae1_enc_b)
    rec1 = jax.nn.relu(bn1 @ ae1_dec_W + ae1_dec_b)
    # projector + field decoder (reconstruction head)
    proj = jax.nn.relu(rec1 @ proj_W + proj_b)
    out = proj @ fdec_W + fdec_b
    return out


if False:  # reference __main__ guard neutralized (emitter)
    o = reference(**setup_inputs())
    print(o.shape)

if __name__ == "__main__":
    import jax
    _d = setup_inputs()
    print(jax.jit(kernel)(*tuple(_d.values())))

</pallas_src>

<mosaic_0001>
#map = affine_map<(d0, d1) -> (0, 0)>
#map1 = affine_map<(d0, d1) -> (0, 0, 0)>
module attributes {stable_mosaic.version = 14 : i64} {
  func.func @_sc_body(%arg0: i32, %arg1: i32, %arg2: memref<10240x32xf32, #tpu.memory_space<hbm>>, %arg3: memref<32x80x128xi32, #tpu.memory_space<hbm>>, %arg4: memref<32x80x128xi32, #tpu.memory_space<hbm>>, %arg5: memref<2x10240x32xf32, #tpu.memory_space<hbm>>, %arg6: memref<2x10240xf32, #tpu.memory_space<hbm>>, %arg7: memref<80x128xi32, #tpu.memory_space<vmem>>, %arg8: memref<80x128xi32, #tpu.memory_space<vmem>>, %arg9: memref<128x32xf32, #tpu.memory_space<vmem>>, %arg10: memref<128x32xf32, #tpu.memory_space<vmem>>, %arg11: memref<640xf32, #tpu.memory_space<vmem>>, %arg12: memref<128xf32, #tpu.memory_space<vmem>>, %arg13: memref<10240x32xf32, #tpu.memory_space<vmem_shared>>, %arg14: memref<10240x32xf32, #tpu.memory_space<vmem_shared>>, %arg15: memref<10240xf32, #tpu.memory_space<vmem_shared>>, %arg16: memref<!tpu.dma_semaphore, #tpu.memory_space<semaphore_mem>>, %arg17: memref<!tpu.dma_semaphore, #tpu.memory_space<semaphore_mem>>) attributes {dimension_semantics = [#tpu.dimension_semantics<core_parallel>, #tpu.dimension_semantics<subcore_parallel>], iteration_bounds = array<i64: 2, 16>, scalar_prefetch = 0 : i64, scratch_operands = 11 : i64, tpu.core_type = #tpu.core_type<sc_vector_subcore>, window_params = [{transform_indices = #map}, {transform_indices = #map1}, {transform_indices = #map1}, {transform_indices = #map1}, {transform_indices = #map}]} {
    %mul3A = arith.constant 2 : i32
    %mul3A_0 = arith.muli %arg1, %mul3A : i32
    %add3A = arith.addi %mul3A_0, %arg0 : i32
    %mul3A_1 = arith.constant 640 : i32
    %mul3A_2 = arith.muli %arg1, %mul3A_1 : i32
    %dma_start3A = arith.constant 0 : i32
    %dma_start3A_3 = arith.constant 0 : i32
    %dma_start3A_4 = tpu.memref_slice %arg3[%add3A, %dma_start3A, %dma_start3A_3] : memref<32x80x128xi32, #tpu.memory_space<hbm>> -> memref<1x80x128xi32, #tpu.memory_space<hbm>>
    %dma_start3A_5 = tpu.memref_squeeze %dma_start3A_4 : memref<1x80x128xi32, #tpu.memory_space<hbm>> -> memref<80x128xi32, #tpu.memory_space<hbm>>
    %dma_start3A_6 = arith.constant 0 : i32
    %dma_start3A_7 = arith.constant 0 : i32
    %dma_start3A_8 = tpu.memref_slice %arg3[%add3A, %dma_start3A_6, %dma_start3A_7] : memref<32x80x128xi32, #tpu.memory_space<hbm>> -> memref<1x80x128xi32, #tpu.memory_space<hbm>>
    %dma_start3A_9 = tpu.memref_squeeze %dma_start3A_8 : memref<1x80x128xi32, #tpu.memory_space<hbm>> -> memref<80x128xi32, #tpu.memory_space<hbm>>
    tpu.enqueue_dma source(%dma_start3A_9 : memref<80x128xi32, #tpu.memory_space<hbm>>) target(%arg7 : memref<80x128xi32, #tpu.memory_space<vmem>>) target_semaphore(%arg16 : memref<!tpu.dma_semaphore, #tpu.memory_space<semaphore_mem>>)
    %dma_start3A_10 = arith.constant 0 : i32
    %dma_start3A_11 = arith.constant 0 : i32
    %dma_start3A_12 = tpu.memref_slice %arg4[%add3A, %dma_start3A_10, %dma_start3A_11] : memref<32x80x128xi32, #tpu.memory_space<hbm>> -> memref<1x80x128xi32, #tpu.memory_space<hbm>>
    %dma_start3A_13 = tpu.memref_squeeze %dma_start3A_12 : memref<1x80x128xi32, #tpu.memory_space<hbm>> -> memref<80x128xi32, #tpu.memory_space<hbm>>
    %dma_start3A_14 = arith.constant 0 : i32
    %dma_start3A_15 = arith.constant 0 : i32
    %dma_start3A_16 = tpu.memref_slice %arg4[%add3A, %dma_start3A_14, %dma_start3A_15] : memref<32x80x128xi32, #tpu.memory_space<hbm>> -> memref<1x80x128xi32, #tpu.memory_space<hbm>>
    %dma_start3A_17 = tpu.memref_squeeze %dma_start3A_16 : memref<1x80x128xi32, #tpu.memory_space<hbm>> -> memref<80x128xi32, #tpu.memory_space<hbm>>
    tpu.enqueue_dma source(%dma_start3A_17 : memref<80x128xi32, #tpu.memory_space<hbm>>) target(%arg8 : memref<80x128xi32, #tpu.memory_space<vmem>>) target_semaphore(%arg17 : memref<!tpu.dma_semaphore, #tpu.memory_space<semaphore_mem>>)
    "tpu.region"() ({
      %run_scoped3A = tpu.sem_alloc : memref<!tpu.dma_semaphore, #tpu.memory_space<semaphore_mem>>
      %dma_start3A_82 = arith.constant 0 : i32
      %dma_start3A_83 = tpu.memref_slice %arg14[%mul3A_2, %dma_start3A_82] : memref<10240x32xf32, #tpu.memory_space<vmem_shared>> -> memref<640x32xf32, #tpu.memory_space<vmem_shared>>
      %dma_start3A_84 = arith.constant 0 : i32
      %dma_start3A_85 = tpu.memref_slice %arg2[%mul3A_2, %dma_start3A_84] : memref<10240x32xf32, #tpu.memory_space<hbm>> -> memref<640x32xf32, #tpu.memory_space<hbm>>
      tpu.enqueue_dma source(%dma_start3A_85 : memref<640x32xf32, #tpu.memory_space<hbm>>) target(%dma_start3A_83 : memref<640x32xf32, #tpu.memory_space<vmem_shared>>) target_semaphore(%run_scoped3A : memref<!tpu.dma_semaphore, #tpu.memory_space<semaphore_mem>>)
      %dma_wait3A_86 = arith.constant 0 : i32
      %dma_wait3A_87 = tpu.memref_slice %arg14[%mul3A_2, %dma_wait3A_86] : memref<10240x32xf32, #tpu.memory_space<vmem_shared>> -> memref<640x32xf32, #tpu.memory_space<vmem_shared>>
      %dma_wait3A_88 = arith.constant 0 : i32
      %dma_wait3A_89 = tpu.memref_slice %arg2[%mul3A_2, %dma_wait3A_88] : memref<10240x32xf32, #tpu.memory_space<hbm>> -> memref<640x32xf32, #tpu.memory_space<hbm>>
      tpu.wait_dma2 semaphore(%run_scoped3A : memref<!tpu.dma_semaphore, #tpu.memory_space<semaphore_mem>>) src(%dma_wait3A_89 : memref<640x32xf32, #tpu.memory_space<hbm>>) dst(%dma_wait3A_87 : memref<640x32xf32, #tpu.memory_space<vmem_shared>>)
      tpu.yield
    }) : () -> ()
    %scan3A = arith.constant 0 : i32
    %scan3A_18 = arith.constant 0 : i32
    %scan3A_19 = arith.constant 8 : i32
    %scan3A_20 = arith.addi %scan3A_18, %scan3A_19 : i32
    %scan3A_21 = arith.constant 1 : i32
    %scan3A_22 = scf.for %scan3A_82 = %scan3A_18 to %scan3A_20 step %scan3A_21 iter_args(%scan3A_83 = %scan3A) -> (i32)  : i32 {
      %broadcast_in_dim3A = arith.constant 1.000000e+00 : f32
      %broadcast_in_dim3A_84 = vector.broadcast %broadcast_in_dim3A : f32 to vector<16xf32>
      %mul3A_85 = arith.constant 16 : i32
      %mul3A_86 = arith.muli %scan3A_82, %mul3A_85 : i32
      %swap3A = arith.index_cast %mul3A_86 : i32 to index
      %swap3A_87 = tpu.vector_load %arg12[%swap3A] {strides = array<i32>} : memref<128xf32, #tpu.memory_space<vmem>>, vector<16xf32>,
      %swap3A_88 = vector.shape_cast %swap3A_87 : vector<16xf32> to vector<16xf32>
      %swap3A_89 = vector.shape_cast %broadcast_in_dim3A_84 : vector<16xf32> to vector<16xf32>
      tpu.vector_store %arg12[%swap3A], %swap3A_89 {strides = array<i32>} : memref<128xf32, #tpu.memory_space<vmem>>, vector<16xf32>,
      %scan3A_90 = arith.constant 0 : i32
      scf.yield %scan3A_90 : i32
    }
    %scan3A_23 = arith.constant 8 : i32
    %scan3A_24 = arith.constant 0 : i32
    %scan3A_25 = arith.constant 0 : i32
    %scan3A_26 = arith.constant 40 : i32
    %scan3A_27 = arith.addi %scan3A_25, %scan3A_26 : i32
    %scan3A_28 = arith.constant 1 : i32
    %scan3A_29 = scf.for %scan3A_82 = %scan3A_25 to %scan3A_27 step %scan3A_28 iter_args(%scan3A_83 = %scan3A_24) -> (i32)  : i32 {
      %broadcast_in_dim3A = arith.constant 0.000000e+00 : f32
      %broadcast_in_dim3A_84 = vector.broadcast %broadcast_in_dim3A : f32 to vector<16xf32>
      %mul3A_85 = arith.constant 16 : i32
      %mul3A_86 = arith.muli %scan3A_82, %mul3A_85 : i32
      %swap3A = arith.index_cast %mul3A_86 : i32 to index
      %swap3A_87 = tpu.vector_load %arg11[%swap3A] {strides = array<i32>} : memref<640xf32, #tpu.memory_space<vmem>>, vector<16xf32>,
      %swap3A_88 = vector.shape_cast %swap3A_87 : vector<16xf32> to vector<16xf32>
      %swap3A_89 = vector.shape_cast %broadcast_in_dim3A_84 : vector<16xf32> to vector<16xf32>
      tpu.vector_store %arg11[%swap3A], %swap3A_89 {strides = array<i32>} : memref<640xf32, #tpu.memory_space<vmem>>, vector<16xf32>,
      %scan3A_90 = arith.constant 0 : i32
      scf.yield %scan3A_90 : i32
    }
    %scan3A_30 = arith.constant 40 : i32
    "tpu.region"() ({
      %run_scoped3A = tpu.sem_alloc : memref<!tpu.dma_semaphore, #tpu.memory_space<semaphore_mem>>
      %dma_start3A_82 = tpu.memref_slice %arg15[%mul3A_2] : memref<10240xf32, #tpu.memory_space<vmem_shared>> -> memref<640xf32, #tpu.memory_space<vmem_shared>>
      %dma_start3A_83 = tpu.memref_slice %arg15[%mul3A_2] : memref<10240xf32, #tpu.memory_space<vmem_shared>> -> memref<640xf32, #tpu.memory_space<vmem_shared>>
      tpu.enqueue_dma source(%arg11 : memref<640xf32, #tpu.memory_space<vmem>>) target(%dma_start3A_83 : memref<640xf32, #tpu.memory_space<vmem_shared>>) target_semaphore(%run_scoped3A : memref<!tpu.dma_semaphore, #tpu.memory_space<semaphore_mem>>)
      %dma_wait3A_84 = tpu.memref_slice %arg15[%mul3A_2] : memref<10240xf32, #tpu.memory_space<vmem_shared>> -> memref<640xf32, #tpu.memory_space<vmem_shared>>
      %dma_wait3A_85 = tpu.memref_slice %arg15[%mul3A_2] : memref<10240xf32, #tpu.memory_space<vmem_shared>> -> memref<640xf32, #tpu.memory_space<vmem_shared>>
      tpu.wait_dma2 semaphore(%run_scoped3A : memref<!tpu.dma_semaphore, #tpu.memory_space<semaphore_mem>>) src(%arg11 : memref<640xf32, #tpu.memory_space<vmem>>) dst(%dma_wait3A_85 : memref<640xf32, #tpu.memory_space<vmem_shared>>)
      tpu.yield
    }) : () -> ()
    %scan3A_31 = arith.constant 0 : i32
    %scan3A_32 = arith.constant 0 : i32
    %scan3A_33 = arith.constant 128 : i32
    %scan3A_34 = arith.addi %scan3A_32, %scan3A_33 : i32
    %scan3A_35 = arith.constant 1 : i32
    %scan3A_36 = scf.for %scan3A_82 = %scan3A_32 to %scan3A_34 step %scan3A_35 iter_args(%scan3A_83 = %scan3A_31) -> (i32)  : i32 {
      %broadcast_in_dim3A = arith.constant 0.000000e+00 : f32
      %broadcast_in_dim3A_84 = vector.broadcast %broadcast_in_dim3A : f32 to vector<16xf32>
      %swap3A = arith.index_cast %scan3A_82 : i32 to index
      %swap3A_85 = arith.constant 0 : index
      %swap3A_86 = tpu.vector_load %arg10[%swap3A, %swap3A_85] {strides = array<i32>} : memref<128x32xf32, #tpu.memory_space<vmem>>, vector<1x16xf32>,
      %swap3A_87 = vector.shape_cast %swap3A_86 : vector<1x16xf32> to vector<16xf32>
      %swap3A_88 = vector.shape_cast %broadcast_in_dim3A_84 : vector<16xf32> to vector<1x16xf32>
      tpu.vector_store %arg10[%swap3A, %swap3A_85], %swap3A_88 {strides = array<i32>} : memref<128x32xf32, #tpu.memory_space<vmem>>, vector<1x16xf32>,
      %broadcast_in_dim3A_89 = arith.constant 0.000000e+00 : f32
      %broadcast_in_dim3A_90 = vector.broadcast %broadcast_in_dim3A_89 : f32 to vector<16xf32>
      %swap3A_91 = arith.index_cast %scan3A_82 : i32 to index
      %swap3A_92 = arith.constant 16 : index
      %swap3A_93 = tpu.vector_load %arg10[%swap3A_91, %swap3A_92] {strides = array<i32>} : memref<128x32xf32, #tpu.memory_space<vmem>>, vector<1x16xf32>,
      %swap3A_94 = vector.shape_cast %swap3A_93 : vector<1x16xf32> to vector<16xf32>
      %swap3A_95 = vector.shape_cast %broadcast_in_dim3A_90 : vector<16xf32> to vector<1x16xf32>
      tpu.vector_store %arg10[%swap3A_91, %swap3A_92], %swap3A_95 {strides = array<i32>} : memref<128x32xf32, #tpu.memory_space<vmem>>, vector<1x16xf32>,
      %scan3A_96 = arith.constant 0 : i32
      scf.yield %scan3A_96 : i32
    }
    %scan3A_37 = arith.constant 128 : i32
    %scan3A_38 = arith.constant 0 : i32
    %scan3A_39 = arith.constant 0 : i32
    %scan3A_40 = arith.constant 5 : i32
    %scan3A_41 = arith.addi %scan3A_39, %scan3A_40 : i32
    %scan3A_42 = arith.constant 1 : i32
    %scan3A_43 = scf.for %scan3A_82 = %scan3A_39 to %scan3A_41 step %scan3A_42 iter_args(%scan3A_83 = %scan3A_38) -> (i32)  : i32 {
      %mul3A_84 = arith.constant 128 : i32
      %mul3A_85 = arith.muli %scan3A_82, %mul3A_84 : i32
      %add3A_86 = arith.addi %mul3A_2, %mul3A_85 : i32
      "tpu.region"() ({
        %run_scoped3A = tpu.sem_alloc : memref<!tpu.dma_semaphore, #tpu.memory_space<semaphore_mem>>
        %dma_start3A_88 = arith.constant 0 : i32
        %dma_start3A_89 = tpu.memref_slice %arg13[%add3A_86, %dma_start3A_88] : memref<10240x32xf32, #tpu.memory_space<vmem_shared>> -> memref<128x32xf32, #tpu.memory_space<vmem_shared>>
        %dma_start3A_90 = arith.constant 0 : i32
        %dma_start3A_91 = tpu.memref_slice %arg13[%add3A_86, %dma_start3A_90] : memref<10240x32xf32, #tpu.memory_space<vmem_shared>> -> memref<128x32xf32, #tpu.memory_space<vmem_shared>>
        tpu.enqueue_dma source(%arg10 : memref<128x32xf32, #tpu.memory_space<vmem>>) target(%dma_start3A_91 : memref<128x32xf32, #tpu.memory_space<vmem_shared>>) target_semaphore(%run_scoped3A : memref<!tpu.dma_semaphore, #tpu.memory_space<semaphore_mem>>)
        %dma_wait3A_92 = arith.constant 0 : i32
        %dma_wait3A_93 = tpu.memref_slice %arg13[%add3A_86, %dma_wait3A_92] : memref<10240x32xf32, #tpu.memory_space<vmem_shared>> -> memref<128x32xf32, #tpu.memory_space<vmem_shared>>
        %dma_wait3A_94 = arith.constant 0 : i32
        %dma_wait3A_95 = tpu.memref_slice %arg13[%add3A_86, %dma_wait3A_94] : memref<10240x32xf32, #tpu.memory_space<vmem_shared>> -> memref<128x32xf32, #tpu.memory_space<vmem_shared>>
        tpu.wait_dma2 semaphore(%run_scoped3A : memref<!tpu.dma_semaphore, #tpu.memory_space<semaphore_mem>>) src(%arg10 : memref<128x32xf32, #tpu.memory_space<vmem>>) dst(%dma_wait3A_95 : memref<128x32xf32, #tpu.memory_space<vmem_shared>>)
        tpu.yield
      }) : () -> ()
      %scan3A_87 = arith.constant 0 : i32
      scf.yield %scan3A_87 : i32
    }
    %scan3A_44 = arith.constant 5 : i32
    %dma_wait3A = arith.constant 0 : i32
    %dma_wait3A_45 = arith.constant 0 : i32
    %dma_wait3A_46 = tpu.memref_slice %arg3[%add3A, %dma_wait3A, %dma_wait3A_45] : memref<32x80x128xi32, #tpu.memory_space<hbm>> -> memref<1x80x128xi32, #tpu.memory_space<hbm>>
    %dma_wait3A_47 = tpu.memref_squeeze %dma_wait3A_46 : memref<1x80x128xi32, #tpu.memory_space<hbm>> -> memref<80x128xi32, #tpu.memory_space<hbm>>
    %dma_wait3A_48 = arith.constant 0 : i32
    %dma_wait3A_49 = arith.constant 0 : i32
    %dma_wait3A_50 = tpu.memref_slice %arg3[%add3A, %dma_wait3A_48, %dma_wait3A_49] : memref<32x80x128xi32, #tpu.memory_space<hbm>> -> memref<1x80x128xi32, #tpu.memory_space<hbm>>
    %dma_wait3A_51 = tpu.memref_squeeze %dma_wait3A_50 : memref<1x80x128xi32, #tpu.memory_space<hbm>> -> memref<80x128xi32, #tpu.memory_space<hbm>>
    tpu.wait_dma2 semaphore(%arg16 : memref<!tpu.dma_semaphore, #tpu.memory_space<semaphore_mem>>) src(%dma_wait3A_51 : memref<80x128xi32, #tpu.memory_space<hbm>>) dst(%arg7 : memref<80x128xi32, #tpu.memory_space<vmem>>)
    %dma_wait3A_52 = arith.constant 0 : i32
    %dma_wait3A_53 = arith.constant 0 : i32
    %dma_wait3A_54 = tpu.memref_slice %arg4[%add3A, %dma_wait3A_52, %dma_wait3A_53] : memref<32x80x128xi32, #tpu.memory_space<hbm>> -> memref<1x80x128xi32, #tpu.memory_space<hbm>>
    %dma_wait3A_55 = tpu.memref_squeeze %dma_wait3A_54 : memref<1x80x128xi32, #tpu.memory_space<hbm>> -> memref<80x128xi32, #tpu.memory_space<hbm>>
    %dma_wait3A_56 = arith.constant 0 : i32
    %dma_wait3A_57 = arith.constant 0 : i32
    %dma_wait3A_58 = tpu.memref_slice %arg4[%add3A, %dma_wait3A_56, %dma_wait3A_57] : memref<32x80x128xi32, #tpu.memory_space<hbm>> -> memref<1x80x128xi32, #tpu.memory_space<hbm>>
    %dma_wait3A_59 = tpu.memref_squeeze %dma_wait3A_58 : memref<1x80x128xi32, #tpu.memory_space<hbm>> -> memref<80x128xi32, #tpu.memory_space<hbm>>
    tpu.wait_dma2 semaphore(%arg17 : memref<!tpu.dma_semaphore, #tpu.memory_space<semaphore_mem>>) src(%dma_wait3A_59 : memref<80x128xi32, #tpu.memory_space<hbm>>) dst(%arg8 : memref<80x128xi32, #tpu.memory_space<vmem>>)
    %barrier3A = arith.constant 0 : index
    tpu.barrier barrier_id(%barrier3A)
    %dma_start3A_60 = arith.constant 0 : i32
    %dma_start3A_61 = arith.constant 0 : i32
    %dma_start3A_62 = tpu.memref_slice %arg7[%dma_start3A_60, %dma_start3A_61] : memref<80x128xi32, #tpu.memory_space<vmem>> -> memref<1x128xi32, #tpu.memory_space<vmem>>
    %dma_start3A_63 = tpu.memref_squeeze %dma_start3A_62 : memref<1x128xi32, #tpu.memory_space<vmem>> -> memref<128xi32, #tpu.memory_space<vmem>>
    %dma_start3A_64 = arith.constant 0 : i32
    %dma_start3A_65 = arith.constant 0 : i32
    %dma_start3A_66 = tpu.memref_slice %arg14[%dma_start3A_64, %dma_start3A_65] : memref<10240x32xf32, #tpu.memory_space<vmem_shared>> -> memref<10240x32xf32, #tpu.memory_space<vmem_shared>>
    tpu.enqueue_indirect_dma source(%dma_start3A_66 : memref<10240x32xf32, #tpu.memory_space<vmem_shared>>) target(%arg9 : memref<128x32xf32, #tpu.memory_space<vmem>>) offsets(%dma_start3A_63 : memref<128xi32, #tpu.memory_space<vmem>>) semaphore(%arg16 : memref<!tpu.dma_semaphore, #tpu.memory_space<semaphore_mem>>)
    %dma_start3A_67 = arith.constant 1 : i32
    %dma_start3A_68 = arith.constant 0 : i32
    %dma_start3A_69 = tpu.memref_slice %arg7[%dma_start3A_67, %dma_start3A_68] : memref<80x128xi32, #tpu.memory_space<vmem>> -> memref<1x128xi32, #tpu.memory_space<vmem>>
    %dma_start3A_70 = tpu.memref_squeeze %dma_start3A_69 : memref<1x128xi32, #tpu.memory_space<vmem>> -> memref<128xi32, #tpu.memory_space<vmem>>
    %dma_start3A_71 = arith.constant 0 : i32
    %dma_start3A_72 = arith.constant 0 : i32
    %dma_start3A_73 = tpu.memref_slice %arg14[%dma_start3A_71, %dma_start3A_72] : memref<10240x32xf32, #tpu.memory_space<vmem_shared>> -> memref<10240x32xf32, #tpu.memory_space<vmem_shared>>
    tpu.enqueue_indirect_dma source(%dma_start3A_73 : memref<10240x32xf32, #tpu.memory_space<vmem_shared>>) target(%arg10 : memref<128x32xf32, #tpu.memory_space<vmem>>) offsets(%dma_start3A_70 : memref<128xi32, #tpu.memory_space<vmem>>) semaphore(%arg17 : memref<!tpu.dma_semaphore, #tpu.memory_space<semaphore_mem>>)
    %scan3A_74 = arith.constant 0 : i32
    %scan3A_75 = arith.constant 0 : i32
    %scan3A_76 = arith.constant 40 : i32
    %scan3A_77 = arith.addi %scan3A_75, %scan3A_76 : i32
    %scan3A_78 = arith.constant 1 : i32
    %scan3A_79 = scf.for %scan3A_82 = %scan3A_75 to %scan3A_77 step %scan3A_78 iter_args(%scan3A_83 = %scan3A_74) -> (i32)  : i32 {
      %mul3A_84 = arith.constant 2 : i32
      %mul3A_85 = arith.muli %mul3A_84, %scan3A_82 : i32
      %dma_wait3A_86 = arith.constant 0 : i32
      %dma_wait3A_87 = arith.constant 0 : i32
      %dma_wait3A_88 = tpu.memref_slice %arg2[%dma_wait3A_86, %dma_wait3A_87] : memref<10240x32xf32, #tpu.memory_space<hbm>> -> memref<128x32xf32, #tpu.memory_space<hbm>>
      %dma_wait3A_89 = arith.constant 0 : i32
      %dma_wait3A_90 = arith.constant 0 : i32
      %dma_wait3A_91 = tpu.memref_slice %arg2[%dma_wait3A_89, %dma_wait3A_90] : memref<10240x32xf32, #tpu.memory_space<hbm>> -> memref<128x32xf32, #tpu.memory_space<hbm>>
      tpu.wait_dma2 semaphore(%arg16 : memref<!tpu.dma_semaphore, #tpu.memory_space<semaphore_mem>>) src(%dma_wait3A_91 : memref<128x32xf32, #tpu.memory_space<hbm>>) dst(%arg9 : memref<128x32xf32, #tpu.memory_space<vmem>>)
      "tpu.region"() ({
        %run_scoped3A = tpu.sem_alloc : memref<!tpu.dma_semaphore, #tpu.memory_space<semaphore_mem>>
        %dma_start3A_112 = arith.constant 0 : i32
        %dma_start3A_113 = tpu.memref_slice %arg8[%mul3A_85, %dma_start3A_112] : memref<80x128xi32, #tpu.memory_space<vmem>> -> memref<1x128xi32, #tpu.memory_space<vmem>>
        %dma_start3A_114 = tpu.memref_squeeze %dma_start3A_113 : memref<1x128xi32, #tpu.memory_space<vmem>> -> memref<128xi32, #tpu.memory_space<vmem>>
        %dma_start3A_115 = arith.constant 0 : i32
        %dma_start3A_116 = arith.constant 0 : i32
        %dma_start3A_117 = tpu.memref_slice %arg13[%dma_start3A_115, %dma_start3A_116] : memref<10240x32xf32, #tpu.memory_space<vmem_shared>> -> memref<10240x32xf32, #tpu.memory_space<vmem_shared>>
        tpu.enqueue_indirect_dma source(%arg9 : memref<128x32xf32, #tpu.memory_space<vmem>>) target(%dma_start3A_117 : memref<10240x32xf32, #tpu.memory_space<vmem_shared>>) offsets(%dma_start3A_114 : memref<128xi32, #tpu.memory_space<vmem>>) semaphore(%run_scoped3A : memref<!tpu.dma_semaphore, #tpu.memory_space<semaphore_mem>>) {add = true}
        %dma_wait3A_118 = arith.constant 0 : i32
        %dma_wait3A_119 = tpu.memref_slice %arg8[%mul3A_85, %dma_wait3A_118] : memref<80x128xi32, #tpu.memory_space<vmem>> -> memref<1x128xi32, #tpu.memory_space<vmem>>
        %dma_wait3A_120 = tpu.memref_squeeze %dma_wait3A_119 : memref<1x128xi32, #tpu.memory_space<vmem>> -> memref<128xi32, #tpu.memory_space<vmem>>
        %dma_wait3A_121 = arith.constant 0 : i32
        %dma_wait3A_122 = arith.constant 0 : i32
        %dma_wait3A_123 = tpu.memref_slice %arg13[%dma_wait3A_121, %dma_wait3A_122] : memref<10240x32xf32, #tpu.memory_space<vmem_shared>> -> memref<10240x32xf32, #tpu.memory_space<vmem_shared>>
        tpu.wait_indirect_dma semaphore(%run_scoped3A : memref<!tpu.dma_semaphore, #tpu.memory_space<semaphore_mem>>) src(%arg9 : memref<128x32xf32, #tpu.memory_space<vmem>>) dst(%dma_wait3A_123 : memref<10240x32xf32, #tpu.memory_space<vmem_shared>>)
        tpu.yield
      }) : () -> ()
      "tpu.region"() ({
        %run_scoped3A = tpu.sem_alloc : memref<!tpu.dma_semaphore, #tpu.memory_space<semaphore_mem>>
        %dma_start3A_112 = arith.constant 0 : i32
        %dma_start3A_113 = tpu.memref_slice %arg8[%mul3A_85, %dma_start3A_112] : memref<80x128xi32, #tpu.memory_space<vmem>> -> memref<1x128xi32, #tpu.memory_space<vmem>>
        %dma_start3A_114 = tpu.memref_squeeze %dma_start3A_113 : memref<1x128xi32, #tpu.memory_space<vmem>> -> memref<128xi32, #tpu.memory_space<vmem>>
        %dma_start3A_115 = arith.constant 0 : i32
        %dma_start3A_116 = tpu.memref_slice %arg15[%dma_start3A_115] : memref<10240xf32, #tpu.memory_space<vmem_shared>> -> memref<10240xf32, #tpu.memory_space<vmem_shared>>
        tpu.enqueue_indirect_dma source(%arg12 : memref<128xf32, #tpu.memory_space<vmem>>) target(%dma_start3A_116 : memref<10240xf32, #tpu.memory_space<vmem_shared>>) offsets(%dma_start3A_114 : memref<128xi32, #tpu.memory_space<vmem>>) semaphore(%run_scoped3A : memref<!tpu.dma_semaphore, #tpu.memory_space<semaphore_mem>>) {add = true}
        %dma_wait3A_117 = arith.constant 0 : i32
        %dma_wait3A_118 = tpu.memref_slice %arg8[%mul3A_85, %dma_wait3A_117] : memref<80x128xi32, #tpu.memory_space<vmem>> -> memref<1x128xi32, #tpu.memory_space<vmem>>
        %dma_wait3A_119 = tpu.memref_squeeze %dma_wait3A_118 : memref<1x128xi32, #tpu.memory_space<vmem>> -> memref<128xi32, #tpu.memory_space<vmem>>
        %dma_wait3A_120 = arith.constant 0 : i32
        %dma_wait3A_121 = tpu.memref_slice %arg15[%dma_wait3A_120] : memref<10240xf32, #tpu.memory_space<vmem_shared>> -> memref<10240xf32, #tpu.memory_space<vmem_shared>>
        tpu.wait_indirect_dma semaphore(%run_scoped3A : memref<!tpu.dma_semaphore, #tpu.memory_space<semaphore_mem>>) src(%arg12 : memref<128xf32, #tpu.memory_space<vmem>>) dst(%dma_wait3A_121 : memref<10240xf32, #tpu.memory_space<vmem_shared>>)
        tpu.yield
      }) : () -> ()
      %add3A_92 = arith.constant 2 : i32
      %add3A_93 = arith.addi %mul3A_85, %add3A_92 : i32
      %lt3A = arith.constant 80 : i32
      %lt3A_94 = arith.cmpi slt, %add3A_93, %lt3A : i32
      %convert_element_type3A = arith.extui %lt3A_94 : i1 to i32
      %cond3A = arith.constant 0 : i32
      %cond3A_95 = arith.cmpi ne, %convert_element_type3A, %cond3A : i32
      scf.if %cond3A_95 {
        %add3A_112 = arith.constant 2 : i32
        %add3A_113 = arith.addi %mul3A_85, %add3A_112 : i32
        %dma_start3A_114 = arith.constant 0 : i32
        %dma_start3A_115 = tpu.memref_slice %arg7[%add3A_113, %dma_start3A_114] : memref<80x128xi32, #tpu.memory_space<vmem>> -> memref<1x128xi32, #tpu.memory_space<vmem>>
        %dma_start3A_116 = tpu.memref_squeeze %dma_start3A_115 : memref<1x128xi32, #tpu.memory_space<vmem>> -> memref<128xi32, #tpu.memory_space<vmem>>
        %dma_start3A_117 = arith.constant 0 : i32
        %dma_start3A_118 = arith.constant 0 : i32
        %dma_start3A_119 = tpu.memref_slice %arg14[%dma_start3A_117, %dma_start3A_118] : memref<10240x32xf32, #tpu.memory_space<vmem_shared>> -> memref<10240x32xf32, #tpu.memory_space<vmem_shared>>
        tpu.enqueue_indirect_dma source(%dma_start3A_119 : memref<10240x32xf32, #tpu.memory_space<vmem_shared>>) target(%arg9 : memref<128x32xf32, #tpu.memory_space<vmem>>) offsets(%dma_start3A_116 : memref<128xi32, #tpu.memory_space<vmem>>) semaphore(%arg16 : memref<!tpu.dma_semaphore, #tpu.memory_space<semaphore_mem>>)
      } else {
      }
      %add3A_96 = arith.constant 1 : i32
      %add3A_97 = arith.addi %mul3A_85, %add3A_96 : i32
      %dma_wait3A_98 = arith.constant 0 : i32
      %dma_wait3A_99 = arith.constant 0 : i32
      %dma_wait3A_100 = tpu.memref_slice %arg2[%dma_wait3A_98, %dma_wait3A_99] : memref<10240x32xf32, #tpu.memory_space<hbm>> -> memref<128x32xf32, #tpu.memory_space<hbm>>
      %dma_wait3A_101 = arith.constant 0 : i32
      %dma_wait3A_102 = arith.constant 0 : i32
      %dma_wait3A_103 = tpu.memref_slice %arg2[%dma_wait3A_101, %dma_wait3A_102] : memref<10240x32xf32, #tpu.memory_space<hbm>> -> memref<128x32xf32, #tpu.memory_space<hbm>>
      tpu.wait_dma2 semaphore(%arg17 : memref<!tpu.dma_semaphore, #tpu.memory_space<semaphore_mem>>) src(%dma_wait3A_103 : memref<128x32xf32, #tpu.memory_space<hbm>>) dst(%arg10 : memref<128x32xf32, #tpu.memory_space<vmem>>)
      "tpu.region"() ({
        %run_scoped3A = tpu.sem_alloc : memref<!tpu.dma_semaphore, #tpu.memory_space<semaphore_mem>>
        %dma_start3A_112 = arith.constant 0 : i32
        %dma_start3A_113 = tpu.memref_slice %arg8[%add3A_97, %dma_start3A_112] : memref<80x128xi32, #tpu.memory_space<vmem>> -> memref<1x128xi32, #tpu.memory_space<vmem>>
        %dma_start3A_114 = tpu.memref_squeeze %dma_start3A_113 : memref<1x128xi32, #tpu.memory_space<vmem>> -> memref<128xi32, #tpu.memory_space<vmem>>
        %dma_start3A_115 = arith.constant 0 : i32
        %dma_start3A_116 = arith.constant 0 : i32
        %dma_start3A_117 = tpu.memref_slice %arg13[%dma_start3A_115, %dma_start3A_116] : memref<10240x32xf32, #tpu.memory_space<vmem_shared>> -> memref<10240x32xf32, #tpu.memory_space<vmem_shared>>
        tpu.enqueue_indirect_dma source(%arg10 : memref<128x32xf32, #tpu.memory_space<vmem>>) target(%dma_start3A_117 : memref<10240x32xf32, #tpu.memory_space<vmem_shared>>) offsets(%dma_start3A_114 : memref<128xi32, #tpu.memory_space<vmem>>) semaphore(%run_scoped3A : memref<!tpu.dma_semaphore, #tpu.memory_space<semaphore_mem>>) {add = true}
        %dma_wait3A_118 = arith.constant 0 : i32
        %dma_wait3A_119 = tpu.memref_slice %arg8[%add3A_97, %dma_wait3A_118] : memref<80x128xi32, #tpu.memory_space<vmem>> -> memref<1x128xi32, #tpu.memory_space<vmem>>
        %dma_wait3A_120 = tpu.memref_squeeze %dma_wait3A_119 : memref<1x128xi32, #tpu.memory_space<vmem>> -> memref<128xi32, #tpu.memory_space<vmem>>
        %dma_wait3A_121 = arith.constant 0 : i32
        %dma_wait3A_122 = arith.constant 0 : i32
        %dma_wait3A_123 = tpu.memref_slice %arg13[%dma_wait3A_121, %dma_wait3A_122] : memref<10240x32xf32, #tpu.memory_space<vmem_shared>> -> memref<10240x32xf32, #tpu.memory_space<vmem_shared>>
        tpu.wait_indirect_dma semaphore(%run_scoped3A : memref<!tpu.dma_semaphore, #tpu.memory_space<semaphore_mem>>) src(%arg10 : memref<128x32xf32, #tpu.memory_space<vmem>>) dst(%dma_wait3A_123 : memref<10240x32xf32, #tpu.memory_space<vmem_shared>>)
        tpu.yield
      }) : () -> ()
      "tpu.region"() ({
        %run_scoped3A = tpu.sem_alloc : memref<!tpu.dma_semaphore, #tpu.memory_space<semaphore_mem>>
        %dma_start3A_112 = arith.constant 0 : i32
        %dma_start3A_113 = tpu.memref_slice %arg8[%add3A_97, %dma_start3A_112] : memref<80x128xi32, #tpu.memory_space<vmem>> -> memref<1x128xi32, #tpu.memory_space<vmem>>
        %dma_start3A_114 = tpu.memref_squeeze %dma_start3A_113 : memref<1x128xi32, #tpu.memory_space<vmem>> -> memref<128xi32, #tpu.memory_space<vmem>>
        %dma_start3A_115 = arith.constant 0 : i32
        %dma_start3A_116 = tpu.memref_slice %arg15[%dma_start3A_115] : memref<10240xf32, #tpu.memory_space<vmem_shared>> -> memref<10240xf32, #tpu.memory_space<vmem_shared>>
        tpu.enqueue_indirect_dma source(%arg12 : memref<128xf32, #tpu.memory_space<vmem>>) target(%dma_start3A_116 : memref<10240xf32, #tpu.memory_space<vmem_shared>>) offsets(%dma_start3A_114 : memref<128xi32, #tpu.memory_space<vmem>>) semaphore(%run_scoped3A : memref<!tpu.dma_semaphore, #tpu.memory_space<semaphore_mem>>) {add = true}
        %dma_wait3A_117 = arith.constant 0 : i32
        %dma_wait3A_118 = tpu.memref_slice %arg8[%add3A_97, %dma_wait3A_117] : memref<80x128xi32, #tpu.memory_space<vmem>> -> memref<1x128xi32, #tpu.memory_space<vmem>>
        %dma_wait3A_119 = tpu.memref_squeeze %dma_wait3A_118 : memref<1x128xi32, #tpu.memory_space<vmem>> -> memref<128xi32, #tpu.memory_space<vmem>>
        %dma_wait3A_120 = arith.constant 0 : i32
        %dma_wait3A_121 = tpu.memref_slice %arg15[%dma_wait3A_120] : memref<10240xf32, #tpu.memory_space<vmem_shared>> -> memref<10240xf32, #tpu.memory_space<vmem_shared>>
        tpu.wait_indirect_dma semaphore(%run_scoped3A : memref<!tpu.dma_semaphore, #tpu.memory_space<semaphore_mem>>) src(%arg12 : memref<128xf32, #tpu.memory_space<vmem>>) dst(%dma_wait3A_121 : memref<10240xf32, #tpu.memory_space<vmem_shared>>)
        tpu.yield
      }) : () -> ()
      %add3A_104 = arith.constant 2 : i32
      %add3A_105 = arith.addi %add3A_97, %add3A_104 : i32
      %lt3A_106 = arith.constant 80 : i32
      %lt3A_107 = arith.cmpi slt, %add3A_105, %lt3A_106 : i32
      %convert_element_type3A_108 = arith.extui %lt3A_107 : i1 to i32
      %cond3A_109 = arith.constant 0 : i32
      %cond3A_110 = arith.cmpi ne, %convert_element_type3A_108, %cond3A_109 : i32
      scf.if %cond3A_110 {
        %add3A_112 = arith.constant 2 : i32
        %add3A_113 = arith.addi %add3A_97, %add3A_112 : i32
        %dma_start3A_114 = arith.constant 0 : i32
        %dma_start3A_115 = tpu.memref_slice %arg7[%add3A_113, %dma_start3A_114] : memref<80x128xi32, #tpu.memory_space<vmem>> -> memref<1x128xi32, #tpu.memory_space<vmem>>
        %dma_start3A_116 = tpu.memref_squeeze %dma_start3A_115 : memref<1x128xi32, #tpu.memory_space<vmem>> -> memref<128xi32, #tpu.memory_space<vmem>>
        %dma_start3A_117 = arith.constant 0 : i32
        %dma_start3A_118 = arith.constant 0 : i32
        %dma_start3A_119 = tpu.memref_slice %arg14[%dma_start3A_117, %dma_start3A_118] : memref<10240x32xf32, #tpu.memory_space<vmem_shared>> -> memref<10240x32xf32, #tpu.memory_space<vmem_shared>>
        tpu.enqueue_indirect_dma source(%dma_start3A_119 : memref<10240x32xf32, #tpu.memory_space<vmem_shared>>) target(%arg10 : memref<128x32xf32, #tpu.memory_space<vmem>>) offsets(%dma_start3A_116 : memref<128xi32, #tpu.memory_space<vmem>>) semaphore(%arg17 : memref<!tpu.dma_semaphore, #tpu.memory_space<semaphore_mem>>)
      } else {
      }
      %scan3A_111 = arith.constant 0 : i32
      scf.yield %scan3A_111 : i32
    }
    %scan3A_80 = arith.constant 40 : i32
    %barrier3A_81 = arith.constant 0 : index
    tpu.barrier barrier_id(%barrier3A_81)
    "tpu.region"() ({
      %run_scoped3A = tpu.sem_alloc : memref<!tpu.dma_semaphore, #tpu.memory_space<semaphore_mem>>
      %dma_start3A_82 = arith.constant 0 : i32
      %dma_start3A_83 = arith.constant 0 : i32
      %dma_start3A_84 = tpu.memref_slice %arg5[%arg0, %dma_start3A_82, %dma_start3A_83] : memref<2x10240x32xf32, #tpu.memory_space<hbm>> -> memref<1x10240x32xf32, #tpu.memory_space<hbm>>
      %dma_start3A_85 = tpu.memref_squeeze %dma_start3A_84 : memref<1x10240x32xf32, #tpu.memory_space<hbm>> -> memref<10240x32xf32, #tpu.memory_space<hbm>>
      %dma_start3A_86 = arith.constant 0 : i32
      %dma_start3A_87 = tpu.memref_slice %dma_start3A_85[%mul3A_2, %dma_start3A_86] : memref<10240x32xf32, #tpu.memory_space<hbm>> -> memref<640x32xf32, #tpu.memory_space<hbm>>
      %dma_start3A_88 = arith.constant 0 : i32
      %dma_start3A_89 = tpu.memref_slice %arg13[%mul3A_2, %dma_start3A_88] : memref<10240x32xf32, #tpu.memory_space<vmem_shared>> -> memref<640x32xf32, #tpu.memory_space<vmem_shared>>
      tpu.enqueue_dma source(%dma_start3A_89 : memref<640x32xf32, #tpu.memory_space<vmem_shared>>) target(%dma_start3A_87 : memref<640x32xf32, #tpu.memory_space<hbm>>) target_semaphore(%run_scoped3A : memref<!tpu.dma_semaphore, #tpu.memory_space<semaphore_mem>>)
      %dma_wait3A_90 = arith.constant 0 : i32
      %dma_wait3A_91 = arith.constant 0 : i32
      %dma_wait3A_92 = tpu.memref_slice %arg5[%arg0, %dma_wait3A_90, %dma_wait3A_91] : memref<2x10240x32xf32, #tpu.memory_space<hbm>> -> memref<1x10240x32xf32, #tpu.memory_space<hbm>>
      %dma_wait3A_93 = tpu.memref_squeeze %dma_wait3A_92 : memref<1x10240x32xf32, #tpu.memory_space<hbm>> -> memref<10240x32xf32, #tpu.memory_space<hbm>>
      %dma_wait3A_94 = arith.constant 0 : i32
      %dma_wait3A_95 = tpu.memref_slice %dma_wait3A_93[%mul3A_2, %dma_wait3A_94] : memref<10240x32xf32, #tpu.memory_space<hbm>> -> memref<640x32xf32, #tpu.memory_space<hbm>>
      %dma_wait3A_96 = arith.constant 0 : i32
      %dma_wait3A_97 = tpu.memref_slice %arg13[%mul3A_2, %dma_wait3A_96] : memref<10240x32xf32, #tpu.memory_space<vmem_shared>> -> memref<640x32xf32, #tpu.memory_space<vmem_shared>>
      tpu.wait_dma2 semaphore(%run_scoped3A : memref<!tpu.dma_semaphore, #tpu.memory_space<semaphore_mem>>) src(%dma_wait3A_97 : memref<640x32xf32, #tpu.memory_space<vmem_shared>>) dst(%dma_wait3A_95 : memref<640x32xf32, #tpu.memory_space<hbm>>)
      tpu.yield
    }) : () -> ()
    "tpu.region"() ({
      %run_scoped3A = tpu.sem_alloc : memref<!tpu.dma_semaphore, #tpu.memory_space<semaphore_mem>>
      %dma_start3A_82 = arith.constant 0 : i32
      %dma_start3A_83 = tpu.memref_slice %arg6[%arg0, %dma_start3A_82] : memref<2x10240xf32, #tpu.memory_space<hbm>> -> memref<1x10240xf32, #tpu.memory_space<hbm>>
      %dma_start3A_84 = tpu.memref_squeeze %dma_start3A_83 : memref<1x10240xf32, #tpu.memory_space<hbm>> -> memref<10240xf32, #tpu.memory_space<hbm>>
      %dma_start3A_85 = tpu.memref_slice %dma_start3A_84[%mul3A_2] : memref<10240xf32, #tpu.memory_space<hbm>> -> memref<640xf32, #tpu.memory_space<hbm>>
      %dma_start3A_86 = tpu.memref_slice %arg15[%mul3A_2] : memref<10240xf32, #tpu.memory_space<vmem_shared>> -> memref<640xf32, #tpu.memory_space<vmem_shared>>
      tpu.enqueue_dma source(%dma_start3A_86 : memref<640xf32, #tpu.memory_space<vmem_shared>>) target(%dma_start3A_85 : memref<640xf32, #tpu.memory_space<hbm>>) target_semaphore(%run_scoped3A : memref<!tpu.dma_semaphore, #tpu.memory_space<semaphore_mem>>)
      %dma_wait3A_87 = arith.constant 0 : i32
      %dma_wait3A_88 = tpu.memref_slice %arg6[%arg0, %dma_wait3A_87] : memref<2x10240xf32, #tpu.memory_space<hbm>> -> memref<1x10240xf32, #tpu.memory_space<hbm>>
      %dma_wait3A_89 = tpu.memref_squeeze %dma_wait3A_88 : memref<1x10240xf32, #tpu.memory_space<hbm>> -> memref<10240xf32, #tpu.memory_space<hbm>>
      %dma_wait3A_90 = tpu.memref_slice %dma_wait3A_89[%mul3A_2] : memref<10240xf32, #tpu.memory_space<hbm>> -> memref<640xf32, #tpu.memory_space<hbm>>
      %dma_wait3A_91 = tpu.memref_slice %arg15[%mul3A_2] : memref<10240xf32, #tpu.memory_space<vmem_shared>> -> memref<640xf32, #tpu.memory_space<vmem_shared>>
      tpu.wait_dma2 semaphore(%run_scoped3A : memref<!tpu.dma_semaphore, #tpu.memory_space<semaphore_mem>>) src(%dma_wait3A_91 : memref<640xf32, #tpu.memory_space<vmem_shared>>) dst(%dma_wait3A_90 : memref<640xf32, #tpu.memory_space<hbm>>)
      tpu.yield
    }) : () -> ()
    return
  }
}

module attributes {stable_mosaic.version = 14 : i64} {
  func.func @_tc1_body(%arg0: i32, %arg1: memref<5120x128xf32, #tpu.memory_space<vmem>>, %arg2: memref<128x128xf32, #tpu.memory_space<vmem>>, %arg3: memref<128xf32, #tpu.memory_space<vmem>>, %arg4: memref<136x32xf32, #tpu.memory_space<vmem>>, %arg5: memref<32xf32, #tpu.memory_space<vmem>>, %arg6: memref<168x32xf32, #tpu.memory_space<vmem>>, %arg7: memref<32xf32, #tpu.memory_space<vmem>>, %arg8: memref<5120x32xf32, #tpu.memory_space<vmem>>, %arg9: memref<5120x32xf32, #tpu.memory_space<vmem>>) attributes {dimension_semantics = [#tpu.dimension_semantics<arbitrary>], iteration_bounds = array<i64: 2>, scalar_prefetch = 0 : i64, scratch_operands = 0 : i64, tpu.core_type = #tpu.core_type<tc>, window_params = [{transform_indices = @transform_0, window_bounds = array<i64: 5120, 128>}, {pipeline_mode = #tpu.pipeline_mode<synchronous>, transform_indices = @transform_1, window_bounds = array<i64: 128, 128>}, {pipeline_mode = #tpu.pipeline_mode<synchronous>, transform_indices = @transform_2, window_bounds = array<i64: 128>}, {pipeline_mode = #tpu.pipeline_mode<synchronous>, transform_indices = @transform_3, window_bounds = array<i64: 136, 32>}, {pipeline_mode = #tpu.pipeline_mode<synchronous>, transform_indices = @transform_4, window_bounds = array<i64: 32>}, {pipeline_mode = #tpu.pipeline_mode<synchronous>, transform_indices = @transform_5, window_bounds = array<i64: 168, 32>}, {pipeline_mode = #tpu.pipeline_mode<synchronous>, transform_indices = @transform_6, window_bounds = array<i64: 32>}, {transform_indices = @transform_7, window_bounds = array<i64: 5120, 32>}, {transform_indices = @transform_8, window_bounds = array<i64: 5120, 32>}]} {
    %get3A = arith.constant 0 : index
    %get3A_0 = arith.constant 0 : index
    %get3A_1 = vector.load %arg1[%get3A, %get3A_0] : memref<5120x128xf32, #tpu.memory_space<vmem>>, vector<5120x128xf32>
    %get3A_2 = arith.constant 0 : index
    %get3A_3 = arith.constant 0 : index
    %get3A_4 = vector.load %arg2[%get3A_2, %get3A_3] : memref<128x128xf32, #tpu.memory_space<vmem>>, vector<128x128xf32>
    %dot_general3A = arith.constant dense<0.000000e+00> : vector<5120x128xf32>
    %dot_general3A_5 = tpu.matmul %get3A_1, %get3A_4, %dot_general3A {dimension_numbers = #tpu.dot_dimension_numbers<[1], [0], [0], [1], [0, 0, 1, 1], [], []>, transpose_lhs_hint = false} : vector<5120x128xf32>, vector<128x128xf32>, vector<5120x128xf32> -> vector<5120x128xf32>
    %get3A_6 = arith.constant 0 : index
    %get3A_7 = vector.load %arg3[%get3A_6] : memref<128xf32, #tpu.memory_space<vmem>>, vector<128xf32>
    %broadcast_in_dim3A = vector.shape_cast %get3A_7 : vector<128xf32> to vector<1x128xf32>
    %add3A = vector.broadcast %broadcast_in_dim3A : vector<1x128xf32> to vector<5120x128xf32>
    %add3A_8 = arith.addf %dot_general3A_5, %add3A : vector<5120x128xf32>
    %max3A = arith.constant 0.000000e+00 : f32
    %max3A_9 = vector.broadcast %max3A : f32 to vector<5120x128xf32>
    %max3A_10 = arith.maximumf %add3A_8, %max3A_9 : vector<5120x128xf32>
    %get3A_11 = arith.constant 0 : index
    %get3A_12 = arith.constant 0 : index
    %get3A_13 = vector.load %arg6[%get3A_11, %get3A_12] : memref<168x32xf32, #tpu.memory_space<vmem>>, vector<168x32xf32>
    %slice3A = vector.extract_strided_slice %get3A_13 {offsets = [8, 0], sizes = [128, 32], strides = [1, 1]} : vector<168x32xf32> to vector<128x32xf32>
    %dot_general3A_14 = arith.constant dense<0.000000e+00> : vector<5120x32xf32>
    %dot_general3A_15 = tpu.matmul %max3A_10, %slice3A, %dot_general3A_14 {dimension_numbers = #tpu.dot_dimension_numbers<[1], [0], [0], [1], [0, 0, 1, 1], [], []>, transpose_lhs_hint = false} : vector<5120x128xf32>, vector<128x32xf32>, vector<5120x32xf32> -> vector<5120x32xf32>
    %get3A_16 = arith.constant 0 : index
    %get3A_17 = vector.load %arg7[%get3A_16] : memref<32xf32, #tpu.memory_space<vmem>>, vector<32xf32>
    %broadcast_in_dim3A_18 = vector.shape_cast %get3A_17 : vector<32xf32> to vector<1x32xf32>
    %add3A_19 = vector.broadcast %broadcast_in_dim3A_18 : vector<1x32xf32> to vector<5120x32xf32>
    %add3A_20 = arith.addf %dot_general3A_15, %add3A_19 : vector<5120x32xf32>
    %swap3A = arith.constant 0 : index
    %swap3A_21 = arith.constant 0 : index
    %swap3A_22 = vector.load %arg8[%swap3A, %swap3A_21] : memref<5120x32xf32, #tpu.memory_space<vmem>>, vector<5120x32xf32>
    tpu.vector_store %arg8[%swap3A, %swap3A_21], %add3A_20 {strides = array<i32>} : memref<5120x32xf32, #tpu.memory_space<vmem>>, vector<5120x32xf32>,
    %get3A_23 = arith.constant 0 : index
    %get3A_24 = arith.constant 0 : index
    %get3A_25 = vector.load %arg4[%get3A_23, %get3A_24] : memref<136x32xf32, #tpu.memory_space<vmem>>, vector<136x32xf32>
    %slice3A_26 = vector.extract_strided_slice %get3A_25 {offsets = [8, 0], sizes = [128, 32], strides = [1, 1]} : vector<136x32xf32> to vector<128x32xf32>
    %dot_general3A_27 = arith.constant dense<0.000000e+00> : vector<5120x32xf32>
    %dot_general3A_28 = tpu.matmul %max3A_10, %slice3A_26, %dot_general3A_27 {dimension_numbers = #tpu.dot_dimension_numbers<[1], [0], [0], [1], [0, 0, 1, 1], [], []>, transpose_lhs_hint = false} : vector<5120x128xf32>, vector<128x32xf32>, vector<5120x32xf32> -> vector<5120x32xf32>
    %get3A_29 = arith.constant 0 : index
    %get3A_30 = vector.load %arg5[%get3A_29] : memref<32xf32, #tpu.memory_space<vmem>>, vector<32xf32>
    %broadcast_in_dim3A_31 = vector.shape_cast %get3A_30 : vector<32xf32> to vector<1x32xf32>
    %add3A_32 = vector.broadcast %broadcast_in_dim3A_31 : vector<1x32xf32> to vector<5120x32xf32>
    %add3A_33 = arith.addf %dot_general3A_28, %add3A_32 : vector<5120x32xf32>
    %max3A_34 = arith.constant 0.000000e+00 : f32
    %max3A_35 = vector.broadcast %max3A_34 : f32 to vector<5120x32xf32>
    %max3A_36 = arith.maximumf %add3A_33, %max3A_35 : vector<5120x32xf32>
    %swap3A_37 = arith.constant 0 : index
    %swap3A_38 = arith.constant 0 : index
    %swap3A_39 = vector.load %arg9[%swap3A_37, %swap3A_38] : memref<5120x32xf32, #tpu.memory_space<vmem>>, vector<5120x32xf32>
    tpu.vector_store %arg9[%swap3A_37, %swap3A_38], %max3A_36 {strides = array<i32>} : memref<5120x32xf32, #tpu.memory_space<vmem>>, vector<5120x32xf32>,
    return
  }
  func.func @transform_0(%arg0: i32) -> (i32, i32) {
    %c0_i32 = arith.constant 0 : i32
    %c0_i32_0 = arith.constant 0 : i32
    return %arg0, %c0_i32 : i32, i32
  }
  func.func @transform_1(%arg0: i32) -> (i32, i32) {
    %c0_i32 = arith.constant 0 : i32
    %c0_i32_0 = arith.constant 0 : i32
    %c0_i32_1 = arith.constant 0 : i32
    return %c0_i32, %c0_i32_0 : i32, i32
  }
  func.func @transform_2(%arg0: i32) -> i32 {
    %c0_i32 = arith.constant 0 : i32
    %c0_i32_0 = arith.constant 0 : i32
    return %c0_i32 : i32
  }
  func.func @transform_3(%arg0: i32) -> (i32, i32) {
    %c0_i32 = arith.constant 0 : i32
    %c0_i32_0 = arith.constant 0 : i32
    %c0_i32_1 = arith.constant 0 : i32
    return %c0_i32, %c0_i32_0 : i32, i32
  }
  func.func @transform_4(%arg0: i32) -> i32 {
    %c0_i32 = arith.constant 0 : i32
    %c0_i32_0 = arith.constant 0 : i32
    return %c0_i32 : i32
  }
  func.func @transform_5(%arg0: i32) -> (i32, i32) {
    %c0_i32 = arith.constant 0 : i32
    %c0_i32_0 = arith.constant 0 : i32
    %c0_i32_1 = arith.constant 0 : i32
    return %c0_i32, %c0_i32_0 : i32, i32
  }
  func.func @transform_6(%arg0: i32) -> i32 {
    %c0_i32 = arith.constant 0 : i32
    %c0_i32_0 = arith.constant 0 : i32
    return %c0_i32 : i32
  }
  func.func @transform_7(%arg0: i32) -> (i32, i32) {
    %c0_i32 = arith.constant 0 : i32
    %c0_i32_0 = arith.constant 0 : i32
    return %arg0, %c0_i32 : i32, i32
  }
  func.func @transform_8(%arg0: i32) -> (i32, i32) {
    %c0_i32 = arith.constant 0 : i32
    %c0_i32_0 = arith.constant 0 : i32
    return %arg0, %c0_i32 : i32, i32
  }
}

module attributes {stable_mosaic.version = 14 : i64} {
  func.func @_tc2_body(%arg0: i32, %arg1: memref<5120x32xf32, #tpu.memory_space<vmem>>, %arg2: memref<2x5120x32xf32, #tpu.memory_space<vmem>>, %arg3: memref<2x5120x1xf32, #tpu.memory_space<vmem>>, %arg4: memref<32x32xf32, #tpu.memory_space<vmem>>, %arg5: memref<32xf32, #tpu.memory_space<vmem>>, %arg6: memref<168x32xf32, #tpu.memory_space<vmem>>, %arg7: memref<32x168xf32, #tpu.memory_space<vmem>>, %arg8: memref<168xf32, #tpu.memory_space<vmem>>, %arg9: memref<168x128xf32, #tpu.memory_space<vmem>>, %arg10: memref<128xf32, #tpu.memory_space<vmem>>, %arg11: memref<128x128xf32, #tpu.memory_space<vmem>>, %arg12: memref<128xf32, #tpu.memory_space<vmem>>, %arg13: memref<5120x128xf32, #tpu.memory_space<vmem>>) attributes {dimension_semantics = [#tpu.dimension_semantics<arbitrary>], iteration_bounds = array<i64: 2>, scalar_prefetch = 0 : i64, scratch_operands = 0 : i64, tpu.core_type = #tpu.core_type<tc>, window_params = [{transform_indices = @transform_0, window_bounds = array<i64: 5120, 32>}, {transform_indices = @transform_1, window_bounds = array<i64: 2, 5120, 32>}, {transform_indices = @transform_2, window_bounds = array<i64: 2, 5120, 1>}, {pipeline_mode = #tpu.pipeline_mode<synchronous>, transform_indices = @transform_3, window_bounds = array<i64: 32, 32>}, {pipeline_mode = #tpu.pipeline_mode<synchronous>, transform_indices = @transform_4, window_bounds = array<i64: 32>}, {pipeline_mode = #tpu.pipeline_mode<synchronous>, transform_indices = @transform_5, window_bounds = array<i64: 168, 32>}, {pipeline_mode = #tpu.pipeline_mode<synchronous>, transform_indices = @transform_6, window_bounds = array<i64: 32, 168>}, {pipeline_mode = #tpu.pipeline_mode<synchronous>, transform_indices = @transform_7, window_bounds = array<i64: 168>}, {pipeline_mode = #tpu.pipeline_mode<synchronous>, transform_indices = @transform_8, window_bounds = array<i64: 168, 128>}, {pipeline_mode = #tpu.pipeline_mode<synchronous>, transform_indices = @transform_9, window_bounds = array<i64: 128>}, {pipeline_mode = #tpu.pipeline_mode<synchronous>, transform_indices = @transform_10, window_bounds = array<i64: 128, 128>}, {pipeline_mode = #tpu.pipeline_mode<synchronous>, transform_indices = @transform_11, window_bounds = array<i64: 128>}, {transform_indices = @transform_12, window_bounds = array<i64: 5120, 128>}]} {
    %get3A = arith.constant 0 : index
    %get3A_0 = arith.constant 0 : index
    %get3A_1 = arith.constant 0 : index
    %get3A_2 = vector.load %arg2[%get3A, %get3A_0, %get3A_1] : memref<2x5120x32xf32, #tpu.memory_space<vmem>>, vector<2x5120x32xf32>
    %slice3A = vector.extract_strided_slice %get3A_2 {offsets = [0, 0, 0], sizes = [1, 5120, 32], strides = [1, 1, 1]} : vector<2x5120x32xf32> to vector<1x5120x32xf32>
    %squeeze3A = vector.shape_cast %slice3A : vector<1x5120x32xf32> to vector<5120x32xf32>
    %slice3A_3 = vector.extract_strided_slice %get3A_2 {offsets = [1, 0, 0], sizes = [1, 5120, 32], strides = [1, 1, 1]} : vector<2x5120x32xf32> to vector<1x5120x32xf32>
    %squeeze3A_4 = vector.shape_cast %slice3A_3 : vector<1x5120x32xf32> to vector<5120x32xf32>
    %add3A = arith.addf %squeeze3A, %squeeze3A_4 : vector<5120x32xf32>
    %get3A_5 = arith.constant 0 : index
    %get3A_6 = arith.constant 0 : index
    %get3A_7 = arith.constant 0 : index
    %get3A_8 = vector.load %arg3[%get3A_5, %get3A_6, %get3A_7] : memref<2x5120x1xf32, #tpu.memory_space<vmem>>, vector<2x5120x1xf32>
    %slice3A_9 = vector.extract_strided_slice %get3A_8 {offsets = [0, 0, 0], sizes = [1, 5120, 1], strides = [1, 1, 1]} : vector<2x5120x1xf32> to vector<1x5120x1xf32>
    %squeeze3A_10 = vector.shape_cast %slice3A_9 : vector<1x5120x1xf32> to vector<5120x1xf32>
    %slice3A_11 = vector.extract_strided_slice %get3A_8 {offsets = [1, 0, 0], sizes = [1, 5120, 1], strides = [1, 1, 1]} : vector<2x5120x1xf32> to vector<1x5120x1xf32>
    %squeeze3A_12 = vector.shape_cast %slice3A_11 : vector<1x5120x1xf32> to vector<5120x1xf32>
    %add3A_13 = arith.addf %squeeze3A_10, %squeeze3A_12 : vector<5120x1xf32>
    %max3A = arith.constant 1.000000e+00 : f32
    %max3A_14 = vector.broadcast %max3A : f32 to vector<5120x1xf32>
    %max3A_15 = arith.maximumf %add3A_13, %max3A_14 : vector<5120x1xf32>
    %div3A = vector.broadcast %max3A_15 : vector<5120x1xf32> to vector<5120x32xf32>
    %div3A_16 = arith.divf %add3A, %div3A : vector<5120x32xf32>
    %get3A_17 = arith.constant 0 : index
    %get3A_18 = arith.constant 0 : index
    %get3A_19 = vector.load %arg4[%get3A_17, %get3A_18] : memref<32x32xf32, #tpu.memory_space<vmem>>, vector<32x32xf32>
    %dot_general3A = arith.constant dense<0.000000e+00> : vector<5120x32xf32>
    %dot_general3A_20 = tpu.matmul %div3A_16, %get3A_19, %dot_general3A {dimension_numbers = #tpu.dot_dimension_numbers<[1], [0], [0], [1], [0, 0, 1, 1], [], []>, transpose_lhs_hint = false} : vector<5120x32xf32>, vector<32x32xf32>, vector<5120x32xf32> -> vector<5120x32xf32>
    %get3A_21 = arith.constant 0 : index
    %get3A_22 = vector.load %arg5[%get3A_21] : memref<32xf32, #tpu.memory_space<vmem>>, vector<32xf32>
    %broadcast_in_dim3A = vector.shape_cast %get3A_22 : vector<32xf32> to vector<1x32xf32>
    %add3A_23 = vector.broadcast %broadcast_in_dim3A : vector<1x32xf32> to vector<5120x32xf32>
    %add3A_24 = arith.addf %dot_general3A_20, %add3A_23 : vector<5120x32xf32>
    %max3A_25 = arith.constant 0.000000e+00 : f32
    %max3A_26 = vector.broadcast %max3A_25 : f32 to vector<5120x32xf32>
    %max3A_27 = arith.maximumf %add3A_24, %max3A_26 : vector<5120x32xf32>
    %get3A_28 = arith.constant 0 : index
    %get3A_29 = arith.constant 0 : index
    %get3A_30 = vector.load %arg1[%get3A_28, %get3A_29] : memref<5120x32xf32, #tpu.memory_space<vmem>>, vector<5120x32xf32>
    %get3A_31 = arith.constant 0 : index
    %get3A_32 = arith.constant 0 : index
    %get3A_33 = vector.load %arg6[%get3A_31, %get3A_32] : memref<168x32xf32, #tpu.memory_space<vmem>>, vector<168x32xf32>
    %slice3A_34 = vector.extract_strided_slice %get3A_33 {offsets = [136, 0], sizes = [32, 32], strides = [1, 1]} : vector<168x32xf32> to vector<32x32xf32>
    %dot_general3A_35 = arith.constant dense<0.000000e+00> : vector<5120x32xf32>
    %dot_general3A_36 = tpu.matmul %max3A_27, %slice3A_34, %dot_general3A_35 {dimension_numbers = #tpu.dot_dimension_numbers<[1], [0], [0], [1], [0, 0, 1, 1], [], []>, transpose_lhs_hint = false} : vector<5120x32xf32>, vector<32x32xf32>, vector<5120x32xf32> -> vector<5120x32xf32>
    %add3A_37 = arith.addf %get3A_30, %dot_general3A_36 : vector<5120x32xf32>
    %max3A_38 = arith.constant 0.000000e+00 : f32
    %max3A_39 = vector.broadcast %max3A_38 : f32 to vector<5120x32xf32>
    %max3A_40 = arith.maximumf %add3A_37, %max3A_39 : vector<5120x32xf32>
    %get3A_41 = arith.constant 0 : index
    %get3A_42 = arith.constant 0 : index
    %get3A_43 = vector.load %arg7[%get3A_41, %get3A_42] : memref<32x168xf32, #tpu.memory_space<vmem>>, vector<32x168xf32>
    %dot_general3A_44 = arith.constant dense<0.000000e+00> : vector<5120x168xf32>
    %dot_general3A_45 = tpu.matmul %max3A_40, %get3A_43, %dot_general3A_44 {dimension_numbers = #tpu.dot_dimension_numbers<[1], [0], [0], [1], [0, 0, 1, 1], [], []>, transpose_lhs_hint = false} : vector<5120x32xf32>, vector<32x168xf32>, vector<5120x168xf32> -> vector<5120x168xf32>
    %get3A_46 = arith.constant 0 : index
    %get3A_47 = vector.load %arg8[%get3A_46] : memref<168xf32, #tpu.memory_space<vmem>>, vector<168xf32>
    %broadcast_in_dim3A_48 = vector.shape_cast %get3A_47 : vector<168xf32> to vector<1x168xf32>
    %add3A_49 = vector.broadcast %broadcast_in_dim3A_48 : vector<1x168xf32> to vector<5120x168xf32>
    %add3A_50 = arith.addf %dot_general3A_45, %add3A_49 : vector<5120x168xf32>
    %max3A_51 = arith.constant 0.000000e+00 : f32
    %max3A_52 = vector.broadcast %max3A_51 : f32 to vector<5120x168xf32>
    %max3A_53 = arith.maximumf %add3A_50, %max3A_52 : vector<5120x168xf32>
    %get3A_54 = arith.constant 0 : index
    %get3A_55 = arith.constant 0 : index
    %get3A_56 = vector.load %arg9[%get3A_54, %get3A_55] : memref<168x128xf32, #tpu.memory_space<vmem>>, vector<168x128xf32>
    %dot_general3A_57 = arith.constant dense<0.000000e+00> : vector<5120x128xf32>
    %dot_general3A_58 = tpu.matmul %max3A_53, %get3A_56, %dot_general3A_57 {dimension_numbers = #tpu.dot_dimension_numbers<[1], [0], [0], [1], [0, 0, 1, 1], [], []>, transpose_lhs_hint = false} : vector<5120x168xf32>, vector<168x128xf32>, vector<5120x128xf32> -> vector<5120x128xf32>
    %get3A_59 = arith.constant 0 : index
    %get3A_60 = vector.load %arg10[%get3A_59] : memref<128xf32, #tpu.memory_space<vmem>>, vector<128xf32>
    %broadcast_in_dim3A_61 = vector.shape_cast %get3A_60 : vector<128xf32> to vector<1x128xf32>
    %add3A_62 = vector.broadcast %broadcast_in_dim3A_61 : vector<1x128xf32> to vector<5120x128xf32>
    %add3A_63 = arith.addf %dot_general3A_58, %add3A_62 : vector<5120x128xf32>
    %max3A_64 = arith.constant 0.000000e+00 : f32
    %max3A_65 = vector.broadcast %max3A_64 : f32 to vector<5120x128xf32>
    %max3A_66 = arith.maximumf %add3A_63, %max3A_65 : vector<5120x128xf32>
    %get3A_67 = arith.constant 0 : index
    %get3A_68 = arith.constant 0 : index
    %get3A_69 = vector.load %arg11[%get3A_67, %get3A_68] : memref<128x128xf32, #tpu.memory_space<vmem>>, vector<128x128xf32>
    %dot_general3A_70 = arith.constant dense<0.000000e+00> : vector<5120x128xf32>
    %dot_general3A_71 = tpu.matmul %max3A_66, %get3A_69, %dot_general3A_70 {dimension_numbers = #tpu.dot_dimension_numbers<[1], [0], [0], [1], [0, 0, 1, 1], [], []>, transpose_lhs_hint = false} : vector<5120x128xf32>, vector<128x128xf32>, vector<5120x128xf32> -> vector<5120x128xf32>
    %get3A_72 = arith.constant 0 : index
    %get3A_73 = vector.load %arg12[%get3A_72] : memref<128xf32, #tpu.memory_space<vmem>>, vector<128xf32>
    %broadcast_in_dim3A_74 = vector.shape_cast %get3A_73 : vector<128xf32> to vector<1x128xf32>
    %add3A_75 = vector.broadcast %broadcast_in_dim3A_74 : vector<1x128xf32> to vector<5120x128xf32>
    %add3A_76 = arith.addf %dot_general3A_71, %add3A_75 : vector<5120x128xf32>
    %swap3A = arith.constant 0 : index
    %swap3A_77 = arith.constant 0 : index
    %swap3A_78 = vector.load %arg13[%swap3A, %swap3A_77] : memref<5120x128xf32, #tpu.memory_space<vmem>>, vector<5120x128xf32>
    tpu.vector_store %arg13[%swap3A, %swap3A_77], %add3A_76 {strides = array<i32>} : memref<5120x128xf32, #tpu.memory_space<vmem>>, vector<5120x128xf32>,
    return
  }
  func.func @transform_0(%arg0: i32) -> (i32, i32) {
    %c0_i32 = arith.constant 0 : i32
    %c0_i32_0 = arith.constant 0 : i32
    return %arg0, %c0_i32 : i32, i32
  }
  func.func @transform_1(%arg0: i32) -> (i32, i32, i32) {
    %c0_i32 = arith.constant 0 : i32
    %c0_i32_0 = arith.constant 0 : i32
    %c0_i32_1 = arith.constant 0 : i32
    return %c0_i32, %arg0, %c0_i32_0 : i32, i32, i32
  }
  func.func @transform_2(%arg0: i32) -> (i32, i32, i32) {
    %c0_i32 = arith.constant 0 : i32
    %c0_i32_0 = arith.constant 0 : i32
    %c0_i32_1 = arith.constant 0 : i32
    return %c0_i32, %arg0, %c0_i32_0 : i32, i32, i32
  }
  func.func @transform_3(%arg0: i32) -> (i32, i32) {
    %c0_i32 = arith.constant 0 : i32
    %c0_i32_0 = arith.constant 0 : i32
    %c0_i32_1 = arith.constant 0 : i32
    return %c0_i32, %c0_i32_0 : i32, i32
  }
  func.func @transform_4(%arg0: i32) -> i32 {
    %c0_i32 = arith.constant 0 : i32
    %c0_i32_0 = arith.constant 0 : i32
    return %c0_i32 : i32
  }
  func.func @transform_5(%arg0: i32) -> (i32, i32) {
    %c0_i32 = arith.constant 0 : i32
    %c0_i32_0 = arith.constant 0 : i32
    %c0_i32_1 = arith.constant 0 : i32
    return %c0_i32, %c0_i32_0 : i32, i32
  }
  func.func @transform_6(%arg0: i32) -> (i32, i32) {
    %c0_i32 = arith.constant 0 : i32
    %c0_i32_0 = arith.constant 0 : i32
    %c0_i32_1 = arith.constant 0 : i32
    return %c0_i32, %c0_i32_0 : i32, i32
  }
  func.func @transform_7(%arg0: i32) -> i32 {
    %c0_i32 = arith.constant 0 : i32
    %c0_i32_0 = arith.constant 0 : i32
    return %c0_i32 : i32
  }
  func.func @transform_8(%arg0: i32) -> (i32, i32) {
    %c0_i32 = arith.constant 0 : i32
    %c0_i32_0 = arith.constant 0 : i32
    %c0_i32_1 = arith.constant 0 : i32
    return %c0_i32, %c0_i32_0 : i32, i32
  }
  func.func @transform_9(%arg0: i32) -> i32 {
    %c0_i32 = arith.constant 0 : i32
    %c0_i32_0 = arith.constant 0 : i32
    return %c0_i32 : i32
  }
  func.func @transform_10(%arg0: i32) -> (i32, i32) {
    %c0_i32 = arith.constant 0 : i32
    %c0_i32_0 = arith.constant 0 : i32
    %c0_i32_1 = arith.constant 0 : i32
    return %c0_i32, %c0_i32_0 : i32, i32
  }
  func.func @transform_11(%arg0: i32) -> i32 {
    %c0_i32 = arith.constant 0 : i32
    %c0_i32_0 = arith.constant 0 : i32
    return %c0_i32 : i32
  }
  func.func @transform_12(%arg0: i32) -> (i32, i32) {
    %c0_i32 = arith.constant 0 : i32
    %c0_i32_0 = arith.constant 0 : i32
    return %arg0, %c0_i32 : i32, i32
  }
}

</mosaic_0001>

<sc_bundles>
// kernel: kernel.5.cloned.1.call-start
scs
__scs_entry_jumppad:
0x0: {  	(pc) =	sbr.rel $0x88, $3  }
0x1: {  	(tag) =	ssettag $0x0;
	lr =	simm.s32 $0x1  }
0x2: {  	[smem:$0x3F91] =	sst lr;
	_ =	strace $0xD0000000  }
0x3: {  	_ = 	snop  }
0x4: {  	_ = 	snop  }
0x5: {  	_ = 	snop  }
0x6: {  	_ = 	snop  }
0x7: {  	_ = 	snop  }
__scs_overlays_trampoline_lowered:
0x8: {  	[smem:$0x3FA0] =	sst s0  }
0x9: {  	[smem:$0x3FA1] =	sst s1  }
0xa: {  	[smem:$0x3FA2] =	sst s2  }
0xb: {  	[smem:$0x3FA3] =	sst s3  }
0xc: {  	[smem:$0x3FA4] =	sst s4  }
0xd: {  	[smem:$0x3FA5] =	sst s5  }
0xe: {  	[smem:$0x3FA6] =	sst s6  }
0xf: {  	[smem:$0x3FA7] =	sst s7  }
0x10: {  	[smem:$0x3FA8] =	sst s8  }
0x11: {  	[smem:$0x3FA9] =	sst s9;
	s0 =	simm.s32 @!p0 $0x0  }
0x12: {  	s1 =	sld [smem:$0x3F8F];
	s0 =	simm.s32 @p0 $0x1  }
0x13: {  	[smem:$0x3FAA] =	sst s0;
	s0 =	simm.s32 @!p1 $0x0  }
0x14: {  	s2 =	sld [smem:$0x3F8E];
	s0 =	simm.s32 @p1 $0x1  }
0x15: {  	[smem:$0x3FAB] =	sst s0;
	s0 =	simm.s32 @!p2 $0x0  }
0x16: {  	s3 =	sld [smem:$0x3FDB];
	s0 =	simm.s32 @p2 $0x1  }
0x17: {  	s4 =	simm.s32 $0x1BF5;
	[smem:$0x3FAD] =	sst s0  }
0x18: {  	s0 =	sld [smem:$0x3F90];
	_ =	swait.ge [sflag:s4], $0x0  }
0x19: {  	s7 =	sld [smem:$0x3F91]  }
0x1a: {  	s8 =	sadd.s32 $0xFFFFE003, lr  }
0x1b: {  	s9 =	sadd.s32 $0xFFFFFEF7, lr;
	s5 =	simm.s32 $0xFFFFFFFF;
	p2 =	slt.u32 s8, $0xFFFFF086  }
0x1c: {  	p1 =	slt.u32 s9, $0xF7A;
	s5 =	simm.s32 @!p2 $0x0  }
0x1d: {  	s5 =	simm.s32 @p1 $0x1;
	p0 =	seq.s32 s7, s2  }
0x1e: {  	s7 =	smul.u32 @!p0 $0xF7A, s2;
	p2 =	seq.s32 @!p0 s5, $0x0  }
0x1f: {  	s9 =	smul.u32 $0xF7A, s1;
	s8 =	simm.s32 @!p0 $0x1BF5;
	p2 =	por !p2, p0  }
0x20: {  	[sflag:s8] =	ssyncset.s32 @!p0 $0xFFFFF086;
	s6 =	sadd.s32 @!p0 s3, s7;
	s7 =	simm.s32 @!p0 $0x108  }
0x21: {  	s3 =	sadd.s32 s3, s9;
	s6 =	sadd.s32 @!p0 $0x88, s6;
	s7 =	simm.s32 @p2 $0x1082  }
0x22: {  	[simem:s7], [sflag:s8] =	dma.local @!p0 [hbm:s6], $0xF7A  }
0x23: {  	s9 =	sor.u32 $0xD0000000, s2;
	s6 =	simm.s32 $0x108;
	_ =	swait.ge @!p0 [sflag:s8], $0x0  }
0x24: {  	s3 =	sadd.s32 $0x88, s3;
	s6 =	simm.s32 @!p1 $0x1082;
	[sflag:s4] =	ssyncset.s32 $0xFFFFF086  }
0x25: {  	[simem:s6], [sflag:s4] =	dma.local [hbm:s3], $0xF7A  }
0x26: {  	[smem:$0x3F91] =	sst s1;
	(tag) =	ssettag s2;
	_ =	strace s9  }
0x27: {  	s1 =	sld [smem:$0x3FA1]  }
0x28: {  	s2 =	sld [smem:$0x3FA2]  }
0x29: {  	s4 =	sld [smem:$0x3FA4]  }
0x2a: {  	p0 =	seq.s32 s5, $0x0;
	s5 =	sld [smem:$0x3FA5]  }
0x2b: {  	s6 =	sld [smem:$0x3FA6]  }
0x2c: {  	s7 =	sld [smem:$0x3FA7]  }
0x2d: {  	s3 =	simm.s32 $0x108;
	s8 =	sld [smem:$0x3FA8]  }
0x2e: {  	s3 =	simm.s32 @!p0 $0x1082;
	s9 =	sld [smem:$0x3FA9]  }
0x2f: {  	lr =	sadd.s32 s0, s3;
	s0 =	sld [smem:$0x3FA0]  }
0x30: {  	s3 =	sld [smem:$0x3FA3]  }
0x31: {  	[smem:$0x3FAC] =	sst s10  }
0x32: {  	s10 =	sld [smem:$0x3FAA];
	_ =	sdelay $0x3  }
0x33: {  	p0 =	seq.s32 s10, $0x1;
	s10 =	sld [smem:$0x3FAC];
	_ =	sdelay $0x3  }
0x34: {  	[smem:$0x3FAC] =	sst s10  }
0x35: {  	s10 =	sld [smem:$0x3FAB];
	_ =	sdelay $0x3  }
0x36: {  	p1 =	seq.s32 s10, $0x1;
	s10 =	sld [smem:$0x3FAC];
	_ =	sdelay $0x3  }
0x37: {  	[smem:$0x3FAC] =	sst s10  }
0x38: {  	s10 =	sld [smem:$0x3FAD]  }
0x39: {  	_ = 	snop;
	(pc) =	sbr.ind lr, $3  }
0x3a: {  	_ = 	snop  }
0x3b: {  	_ = 	snop  }
0x3c: {  	p2 =	seq.s32 s10, $0x1;
	s10 =	sld [smem:$0x3FAC]  }
0x3d: {  	_ =	shalt  }
0x3e: {  	_ =	shalt  }
0x3f: {  	_ =	shalt  }
0x40: {  	_ =	shalt  }
0x41: {  	_ =	shalt  }
0x42: {  	_ =	shalt  }
0x43: {  	_ =	shalt  }
0x44: {  	_ =	shalt  }
0x45: {  	_ =	shalt  }
0x46: {  	_ =	shalt  }
0x47: {  	_ =	shalt  }
0x48: {  	_ =	shalt  }
0x49: {  	_ =	shalt  }
0x4a: {  	_ =	shalt  }
0x4b: {  	_ =	shalt  }
0x4c: {  	_ =	shalt  }
0x4d: {  	_ =	shalt  }
0x4e: {  	_ =	shalt  }
0x4f: {  	_ =	shalt  }
0x50: {  	_ =	shalt  }
0x51: {  	_ =	shalt  }
0x52: {  	_ =	shalt  }
0x53: {  	_ =	shalt  }
0x54: {  	_ =	shalt  }
0x55: {  	_ =	shalt  }
0x56: {  	_ =	shalt  }
0x57: {  	_ =	shalt  }
0x58: {  	_ =	shalt  }
0x59: {  	_ =	shalt  }
0x5a: {  	_ =	shalt  }
0x5b: {  	_ =	shalt  }
0x5c: {  	_ =	shalt  }
0x5d: {  	_ =	shalt  }
0x5e: {  	_ =	shalt  }
0x5f: {  	_ =	shalt  }
0x60: {  	_ =	shalt  }
0x61: {  	_ =	shalt  }
0x62: {  	_ =	shalt  }
0x63: {  	_ =	shalt  }
0x64: {  	_ =	shalt  }
0x65: {  	_ =	shalt  }
0x66: {  	_ =	shalt  }
0x67: {  	_ =	shalt  }
0x68: {  	_ =	shalt  }
0x69: {  	_ =	shalt  }
0x6a: {  	_ =	shalt  }
0x6b: {  	_ =	shalt  }
0x6c: {  	_ =	shalt  }
0x6d: {  	_ =	shalt  }
0x6e: {  	_ =	shalt  }
0x6f: {  	_ =	shalt  }
0x70: {  	_ =	shalt  }
0x71: {  	_ =	shalt  }
0x72: {  	_ =	shalt  }
0x73: {  	_ =	shalt  }
0x74: {  	_ =	shalt  }
0x75: {  	_ =	shalt  }
0x76: {  	_ =	shalt  }
0x77: {  	_ =	shalt  }
0x78: {  	_ =	shalt  }
0x79: {  	_ =	shalt  }
0x7a: {  	_ =	shalt  }
0x7b: {  	_ =	shalt  }
0x7c: {  	_ =	shalt  }
0x7d: {  	_ =	shalt  }
0x7e: {  	_ =	shalt  }
0x7f: {  	_ =	shalt  }
0x80: {  	_ =	shalt  }
0x81: {  	_ =	shalt  }
0x82: {  	_ =	shalt  }
0x83: {  	_ =	shalt  }
0x84: {  	_ =	shalt  }
0x85: {  	_ =	shalt  }
0x86: {  	_ =	shalt  }
0x87: {  	_ =	shalt  }
.Lfunc_end0:
.L_simem_size_0:
called_computation_lowered:
.L_overlay_start_0:
0x88: {  	s2 =	sld [smem:$0x3FD9]  }
0x89: {  	s3 =	sld [smem:$0x3FFE];
	_ =	sdelay $0x1  }
0x8a: {  	s1 =	srdreg.scid  }
0x8b: {  	s0 =	sand.u32 $0x1, s1  }
0x8c: {  	s17 =	sshll.u32 s0, $0xA;
	s2 =	sadd.s32 s3, s2  }
0x8d: {  	s2 =	sadd.s32 s2, s17  }
0x8e: {  	[smem:$0x3FB8] =	sst s2  }
0x8f: {  	_ = 	snop  }
0x90: {  	s2 =	sld [smem:$0x3FD0];
	(tm) =	ssettm $0x1  }
0x91: {  	s18 =	sld [smem:$0x3FFB];
	_ =	sdelay $0x3  }
0x92: {  	_ =	strace s18  }
0x93: {  	s3 =	sld [smem:$0x3FFC];
	_ =	sdelay $0x3  }
0x94: {  	_ =	strace s3  }
0x95: {  	s3 =	sld [smem:$0x3FFD];
	_ =	sdelay $0x3  }
0x96: {  	_ =	strace s3  }
0x97: {  	_ =	strace $0x8FFFFFFF  }
0x98: {  	s19 =	sld [smem:$0x3FDB];
	_ =	sdelay $0x1  }
0x99: {  	s4 =	simm.s32 $_scs_section_size  }
0x9a: {  	s5 =	simm.s32 $_size__tile_overlayer_lowered;
	s6 =	simm.s32 $_tile_overlayer_lowered  }
0x9b: {  	s22 =	simm.s32 $0x1BFF;
	s21 =	sshll.u32 s6, $0x1;
	s3 =	sadd.s32 s4, s19  }
0x9c: {  	s7 =	simm.s32 $0x0;
	s20 =	sshll.u32 s5, $0x1;
	s5 =	sadd.s32 s21, s3  }
0x9d: {  	[timem:s7], [sflag:s22] =	dma.local [hbm:s5], s20  }
0x9e: {  	_ =	swait.ge [sflag:s22], s20  }
0x9f: {  	s4 =	ssub.s32 $0x0, s20;
	[sflag:s22] =	ssyncset.done $0x0  }
0xa0: {  	[sflag:s22] =	ssyncadd.s32 s4;
	_ =	sdelay $0x1  }
0xa1: {  	s23 =	simm.s32 $0x1B8B  }
0xa2: {  	_ =	swait.ge [sflag:s23], $0x1  }
0xa3: {  	[sflag:s23] =	ssyncset.done $0x0  }
0xa4: {  	s25 =	simm.s32 $0x1B8E;
	s24 =	sld [smem:$0x3FFE];
	[sflag:s23] =	ssyncadd.s32 $0xFFFFFFFF  }
0xa5: {  	s26 =	simm.s32 $execute0_lowered;
	[smem:$0x3FD2] =	sst s25  }
0xa6: {  	s5 =	sshll.u32 s26, $0x1;
	_ =	strace $0x80000046;
	[dreg:$0x1] =	wrdreg $0xFFFFFFFF  }
0xa7: {  	s28 =	simm.s32 $_size_execute0_lowered;
	s3 =	sadd.s32 s3, s5;
	[dreg:$0x0] =	wrdreg $0x0  }
0xa8: {  	s5 =	sshll.u32 s28, $0x1;
	[dreg:$0x2] =	wrdreg s3  }
0xa9: {  	[dreg:$0x3] =	wrdreg s5  }
0xaa: {  	[dreg:$0x4] =	wrdreg $0xC0  }
0xab: {  	_ =	task [dreg:s7], $0x5FFFF  }
0xac: {  	[dreg:$0x1] =	wrdreg $0xFFFFFFFF  }
0xad: {  	[dreg:$0x0] =	wrdreg $0x60  }
0xae: {  	[dreg:$0x2] =	wrdreg s24  }
0xaf: {  	[dreg:$0x3] =	wrdreg s2  }
0xb0: {  	[dreg:$0x4] =	wrdreg $0xC3000  }
0xb1: {  	[dreg:$0x5] =	wrdreg $0x113000  }
0xb2: {  	[dreg:$0x6] =	wrdreg $0x73000  }
0xb3: {  	[dreg:$0x7] =	wrdreg $0x9  }
0xb4: {  	_ =	task.clear_ibuf [dreg:s7], $0x8FFFF;
	_ =	strace $0x90000046  }
0xb5: {  	s29 =	simm.s32 $0x9;
	_ =	strace $0x80000048  }
0xb6: {  	_ =	swait.ge [sflag:s29], $0x1  }
0xb7: {  	[sflag:s29] =	ssyncadd.s32 $0xFFFFFFFF  }
0xb8: {  	_ =	strace $0x90000048  }
0xb9: {  	_ =	sfence  }
0xba: {  	s30 =	sld [smem:$0x0];
	_ =	sdelay $0x2  }
0xbb: {  	s31 =	sshll.u32 s1, $0xD;
	s1 =	sshrl.u32 s1, $0x2  }
0xbc: {  	s3 =	sand.u32 $0x4000, s31;
	s1 =	sadd.s32 s1, s30  }
0xbd: {  	s0 =	sor.u32 s3, s0;
	s1 =	sshll.u32 s1, $0x11  }
0xbe: {  	s0 =	sor.u32 s1, s0  }
0xbf: {  	s0 =	sadd.s32 $0x8F2B, s0  }
0xc0: {  	[sflag:s0] =	ssyncadd.remote.s32 $0x1  }
0xc1: {  	_ =	sfence.sel $0xFFFF  }
0xc2: {  	[dreg:$0x0] =	wrdreg $0xFFFFFFFF;
	(pc) =	sbr.abs _section_cstart, $3  }
0xc3: {  	[dreg:$0x1] =	wrdreg $0xFFFFFFFF  }
0xc4: {  	_ =	task.clear_ibuf [dreg:s7], $0x2FFFF;
	_ =	strace $0x9FFFFFFF  }
0xc5: {  	(tm) =	ssettm $0x7FFFFFFF  }
tec
execute0_lowered:
.L_overlay_start_1:
0x0: {  	(tag) =	ssettag $0x1  }
0x1: {  	s0 =	rddreg [dreg:$0x0]  }
0x2: {  	s1 =	rddreg [dreg:$0x1]  }
0x3: {  	s2 =	rddreg [dreg:$0x2]  }
0x4: {  	s3 =	rddreg [dreg:$0x3]  }
0x5: {  	s4 =	rddreg [dreg:$0x4]  }
0x6: {  	s5 =	stileid.u32;
	s6 =	srdreg.scid  }
0x7: {  	s7 =	simm.s32 $0x0;
	s19 =	simm.s32 $0x3;
	s28 =	simm.s32 $0x80  }
0x8: {  	s29 =	simm.s32 $0x5000;
	s30 =	simm.s32 $0x7280;
	s12 =	smul.u32 $0x5000, s5  }
0x9: {  	s31 =	simm.s32 $0x4F00;
	s8 =	sand.u32 $0x1, s6;
	s14 =	smul.u32 $0x280, s5  }
0xa: {  	s22 =	sshll.u32 s5, $0x1;
	[smem:$0x7FF] =	sst s7;
	s25 =	smul.u32 $0x14000, s5  }
0xb: {  	s26 =	sshll.u32 s5, $0x6;
	s6 =	sor.u32 s8, s22;
	s23 =	smul.u32 $0x500, s8  }
0xc: {  	_ =	strace $0x80000047;
	s9 =	ssub.s32 $0x2, s8;
	s15 =	smul.u32 $0xA000, s8  }
0xd: {  	s22 =	simm.s32 $0x6000;
	s6 =	smul.u32 $0x500, s6;
	s17 =	sshrl.u32 s12, $0x3  }
0xe: {  	s24 =	sshrl.u32 s9, $0x1;
	s18 =	sadd.s32 s12, s2;
	s20 =	sadd.s32 s12, s4  }
0xf: {  	s10 =	sadd.s32 s17, s0;
	s13 =	ssub.s32 s9, s24;
	s9 =	sor.u32 $0x1C03, s26  }
0x10: {  	s1 =	sadd.s32 s1, s15;
	s18 =	sshrl.u32 s18, $0x3;
	s24 =	simm.s32 $0x1  }
0x11: {  	s26 =	simm.s32 $0x2;
	s11 =	sadd.s32 s6, s0;
	s0 =	sadd.s32 s23, s0  }
0x12: {  	s8 =	sadd.s32 $0x16400, s10;
	s10 =	sadd.s32 s14, s3;
	s23 =	sshrl.u32 s14, $0x3  }
0x13: {  	s12 =	smax.u32 s13, $0x1;
	s21 =	sadd.s32 s17, s1;
	s1 =	simm.s32 $0x0  }
0x14: {  	s6 =	sadd.s32 $0xC400, s11;
	s7 =	sadd.s32 $0x2400, s11;
	s11 =	sshrl.u32 s25, $0x2  }
0x15: {  	s0 =	sadd.s32 $0x20400, s0;
	s25 =	sshrl.u32 s20, $0x3;
	s11 =	sadd.s32 s11, s4  }
0x16: {  	s23 =	sadd.s32 s23, s0;
	s0 =	simm.s32 $0x4F80;
	s13 =	sadd.s32 $0x1000, s11  }
0x17: {  	v0 =	vimm.f32 $1.000000000e+00;
	v1 =	vimm.f32 $0.0e+00;
	s14 =	sadd.s32 $0x2000, s11;
	s15 =	sadd.s32 $0x3000, s11;
	s16 =	sadd.s32 $0x4000, s11  }
.LBB2_1:
0x18: {  	s5 =	simm.s32 $0x0  }
0x19: {  	[tilespmem:s5], [sflag:$0x1] =	stream.linear.gather [hbm4b:s6+s5], $0x2800, $0x38;
	[tilespmem:$0x11580] =	vst v63  }
0x1a: {  	s17 =	simm.s32 $0x2800  }
0x1b: {  	[tilespmem:s17], [sflag:$0x2] =	stream.linear.gather [hbm4b:s7+s5], $0x2800, $0x38;
	[tilespmem:$0x11580] =	vst v63  }
0x1c: {  	[spmem:s18], [sflag:s9] =	dma.local [hbm:s8], $0xA00  }
0x1d: {  	_ =	swait.ge [sflag:s19], $0xA00  }
0x1e: {  	[sflag:s19] =	ssyncset.done $0x0  }
0x1f: {  	[sflag:s19] =	ssyncadd.s32 $0xFFFFF600  }
0x20: {  	[tilespmem:$0x7280] =	vst v0  }
0x21: {  	[tilespmem:$0x7290] =	vst v0  }
0x22: {  	[tilespmem:$0x72A0] =	vst v0  }
0x23: {  	[tilespmem:$0x72B0] =	vst v0  }
0x24: {  	[tilespmem:$0x72C0] =	vst v0  }
0x25: {  	[tilespmem:$0x72D0] =	vst v0  }
0x26: {  	[tilespmem:$0x72E0] =	vst v0  }
0x27: {  	[tilespmem:$0x72F0] =	vst v0  }
0x28: {  	[tilespmem:$0x7000] =	vst v1  }
0x29: {  	[tilespmem:$0x7010] =	vst v1  }
0x2a: {  	[tilespmem:$0x7020] =	vst v1  }
0x2b: {  	[tilespmem:$0x7030] =	vst v1  }
0x2c: {  	[tilespmem:$0x7040] =	vst v1  }
0x2d: {  	[tilespmem:$0x7050] =	vst v1  }
0x2e: {  	[tilespmem:$0x7060] =	vst v1  }
0x2f: {  	[tilespmem:$0x7070] =	vst v1  }
0x30: {  	[tilespmem:$0x7080] =	vst v1  }
0x31: {  	[tilespmem:$0x7090] =	vst v1  }
0x32: {  	[tilespmem:$0x70A0] =	vst v1  }
0x33: {  	[tilespmem:$0x70B0] =	vst v1  }
0x34: {  	[tilespmem:$0x70C0] =	vst v1  }
0x35: {  	[tilespmem:$0x70D0] =	vst v1  }
0x36: {  	[tilespmem:$0x70E0] =	vst v1  }
0x37: {  	[tilespmem:$0x70F0] =	vst v1  }
0x38: {  	[tilespmem:$0x7100] =	vst v1  }
0x39: {  	[tilespmem:$0x7110] =	vst v1  }
0x3a: {  	[tilespmem:$0x7120] =	vst v1  }
0x3b: {  	[tilespmem:$0x7130] =	vst v1  }
0x3c: {  	[tilespmem:$0x7140] =	vst v1  }
0x3d: {  	[tilespmem:$0x7150] =	vst v1  }
0x3e: {  	[tilespmem:$0x7160] =	vst v1  }
0x3f: {  	[tilespmem:$0x7170] =	vst v1  }
0x40: {  	[tilespmem:$0x7180] =	vst v1  }
0x41: {  	[tilespmem:$0x7190] =	vst v1  }
0x42: {  	[tilespmem:$0x71A0] =	vst v1  }
0x43: {  	[tilespmem:$0x71B0] =	vst v1  }
0x44: {  	[tilespmem:$0x71C0] =	vst v1  }
0x45: {  	[tilespmem:$0x71D0] =	vst v1  }
0x46: {  	[tilespmem:$0x71E0] =	vst v1  }
0x47: {  	[tilespmem:$0x71F0] =	vst v1  }
0x48: {  	[tilespmem:$0x7200] =	vst v1  }
0x49: {  	[tilespmem:$0x7210] =	vst v1  }
0x4a: {  	[tilespmem:$0x7220] =	vst v1  }
0x4b: {  	[tilespmem:$0x7230] =	vst v1  }
0x4c: {  	[tilespmem:$0x7240] =	vst v1  }
0x4d: {  	[tilespmem:$0x7250] =	vst v1  }
0x4e: {  	[tilespmem:$0x7260] =	vst v1  }
0x4f: {  	s20 =	simm.s32 $0x7000;
	[tilespmem:$0x7270] =	vst v1  }
0x50: {  	[spmem:s10] =	stream.linear.scatter [tilespmem:s20], [sflag:$0x3], $0x280, $0x38;
	[tilespmem:$0x11580] =	vst v63  }
0x51: {  	_ =	swait.ge [sflag:s19], $0x280  }
0x52: {  	[sflag:s19] =	ssyncset.done $0x0  }
0x53: {  	s17 =	simm.s32 $0x80;
	s20 =	simm.s32 $0x0;
	[sflag:s19] =	ssyncadd.s32 $0xFFFFFD80  }
.LBB2_2:
0x54: {  	p0 =	sne.s32 s17, $0x3F80;
	[tilespmem:s20+$0x6000] =	vst v1;
	s5 =	smov.u32 s17;
	s17 =	sadd.s32 $0x80, s17  }
.Ltmp0:
0x55: {  	[tilespmem:s20+$0x6010] =	vst v1;
	(pc) =	sbr.rel @p0 .LBB2_2-.Ltmp0, $2  }
0x56: {  	_ =	sdelay $0x2  }
0x57: {  	s20 =	sshra.s32 s5, $0x2  }
0x58: {  	[tilespmem:s20+$0x6000] =	vst v1  }
0x59: {  	[tilespmem:s20+$0x6010] =	vst v1  }
0x5a: {  	[spmem:s11] =	stream.linear.scatter [tilespmem:s22], [sflag:$0x3], $0x1000, $0x38;
	[tilespmem:$0x11580] =	vst v63  }
0x5b: {  	_ =	swait.ge [sflag:s19], $0x1000  }
0x5c: {  	[sflag:s19] =	ssyncset.done $0x0  }
0x5d: {  	[sflag:s19] =	ssyncadd.s32 $0xFFFFF000  }
0x5e: {  	[spmem:s13] =	stream.linear.scatter [tilespmem:s22], [sflag:$0x3], $0x1000, $0x38;
	[tilespmem:$0x11580] =	vst v63  }
0x5f: {  	_ =	swait.ge [sflag:s19], $0x1000  }
0x60: {  	[sflag:s19] =	ssyncset.done $0x0  }
0x61: {  	[sflag:s19] =	ssyncadd.s32 $0xFFFFF000  }
0x62: {  	[spmem:s14] =	stream.linear.scatter [tilespmem:s22], [sflag:$0x3], $0x1000, $0x38;
	[tilespmem:$0x11580] =	vst v63  }
0x63: {  	_ =	swait.ge [sflag:s19], $0x1000  }
0x64: {  	[sflag:s19] =	ssyncset.done $0x0  }
0x65: {  	[sflag:s19] =	ssyncadd.s32 $0xFFFFF000  }
0x66: {  	[spmem:s15] =	stream.linear.scatter [tilespmem:s22], [sflag:$0x3], $0x1000, $0x38;
	[tilespmem:$0x11580] =	vst v63  }
0x67: {  	_ =	swait.ge [sflag:s19], $0x1000  }
0x68: {  	[sflag:s19] =	ssyncset.done $0x0  }
0x69: {  	[sflag:s19] =	ssyncadd.s32 $0xFFFFF000  }
0x6a: {  	[spmem:s16] =	stream.linear.scatter [tilespmem:s22], [sflag:$0x3], $0x1000, $0x38;
	[tilespmem:$0x11580] =	vst v63  }
0x6b: {  	_ =	swait.ge [sflag:s19], $0x1000  }
0x6c: {  	[sflag:s19] =	ssyncset.done $0x0  }
0x6d: {  	[sflag:s19] =	ssyncadd.s32 $0xFFFFF000  }
0x6e: {  	_ =	swait.ge [sflag:s24], $0x2800  }
0x6f: {  	[sflag:s24] =	ssyncset.done $0x0  }
0x70: {  	[sflag:s24] =	ssyncadd.s32 $0xFFFFD800  }
0x71: {  	_ =	swait.ge [sflag:s26], $0x2800  }
0x72: {  	[sflag:s26] =	ssyncset.done $0x0  }
0x73: {  	[sflag:s26] =	ssyncadd.s32 $0xFFFFD800  }
0x74: {  	s5 =	simm.s32 $0x0;
	[bflag:$0x0] =	sbarrier.arrive $0xFFFF  }
0x75: {  	[tilespmem:s29], [sflag:$0x1] =	stream.indirect.gather [spmem:s2], $0x20, s5, s28, $0xb8;
	[tilespmem:$0x11580] =	vst v63  }
0x76: {  	_ = 	snop  }
0x77: {  	[tilespmem:s22], [sflag:$0x2] =	stream.indirect.gather [spmem:s2], $0x20, s28, s28, $0xb8;
	[tilespmem:$0x11580] =	vst v63  }
0x78: {  	_ =	swait.ge [sflag:s24], $0x1000  }
0x79: {  	[sflag:s24] =	ssyncset.done $0x0  }
0x7a: {  	s20 =	simm.s32 $0x2800;
	[sflag:s24] =	ssyncadd.s32 $0xFFFFF000  }
0x7b: {  	[spmem:s4] =	stream.indirect.scatter.add.f32 [tilespmem:s29], [sflag:$0x3], $0x20, s20, s28, $0xb8;
	[tilespmem:$0x11580] =	vst v63  }
0x7c: {  	_ =	swait.ge [sflag:s19], $0x1000  }
0x7d: {  	[sflag:s19] =	ssyncset.done $0x0  }
0x7e: {  	[sflag:s19] =	ssyncadd.s32 $0xFFFFF000  }
0x7f: {  	[spmem:s3] =	stream.indirect.scatter.add.f32 [tilespmem:s30], [sflag:$0x3], $0x1, s20, s28, $0xb8;
	[tilespmem:$0x11580] =	vst v63  }
0x80: {  	_ =	swait.ge [sflag:s19], $0x80  }
0x81: {  	[sflag:s19] =	ssyncset.done $0x0  }
0x82: {  	s17 =	simm.s32 $0x100;
	[sflag:s19] =	ssyncadd.s32 $0xFFFFFF80  }
0x83: {  	[tilespmem:s29], [sflag:$0x1] =	stream.indirect.gather [spmem:s2], $0x20, s17, s28, $0xb8;
	[tilespmem:$0x11580] =	vst v63  }
0x84: {  	_ =	swait.ge [sflag:s26], $0x1000  }
0x85: {  	[sflag:s26] =	ssyncset.done $0x0  }
0x86: {  	s20 =	simm.s32 $0x2880;
	[sflag:s26] =	ssyncadd.s32 $0xFFFFF000  }
0x87: {  	[spmem:s4] =	stream.indirect.scatter.add.f32 [tilespmem:s22], [sflag:$0x3], $0x20, s20, s28, $0xb8;
	[tilespmem:$0x11580] =	vst v63  }
0x88: {  	_ =	swait.ge [sflag:s19], $0x1000  }
0x89: {  	[sflag:s19] =	ssyncset.done $0x0  }
0x8a: {  	[sflag:s19] =	ssyncadd.s32 $0xFFFFF000  }
0x8b: {  	[spmem:s3] =	stream.indirect.scatter.add.f32 [tilespmem:s30], [sflag:$0x3], $0x1, s20, s28, $0xb8;
	[tilespmem:$0x11580] =	vst v63  }
0x8c: {  	_ =	swait.ge [sflag:s19], $0x80  }
0x8d: {  	[sflag:s19] =	ssyncset.done $0x0  }
0x8e: {  	s17 =	simm.s32 $0x400;
	s20 =	simm.s32 $0x180;
	[sflag:s19] =	ssyncadd.s32 $0xFFFFFF80  }
.LBB2_4:
0x8f: {  	[tilespmem:s22], [sflag:$0x2] =	stream.indirect.gather [spmem:s2], $0x20, s20, s28, $0xb8;
	[tilespmem:$0x11580] =	vst v63  }
0x90: {  	s5 =	smov.u32 s17  }
0x91: {  	p0 =	sne.s32 s17, $0x9800;
	s17 =	sadd.s32 $0x400, s17;
	_ =	swait.ge [sflag:s24], $0x1000  }
0x92: {  	s5 =	sshra.s32 s5, $0x2;
	[sflag:s24] =	ssyncset.done $0x0  }
0x93: {  	s20 =	sadd.s32 $0x2800, s5;
	[sflag:s24] =	ssyncadd.s32 $0xFFFFF000  }
0x94: {  	[spmem:s4] =	stream.indirect.scatter.add.f32 [tilespmem:s29], [sflag:$0x3], $0x20, s20, s28, $0xb8;
	[tilespmem:$0x11580] =	vst v63  }
0x95: {  	_ =	swait.ge [sflag:s19], $0x1000  }
0x96: {  	[sflag:s19] =	ssyncset.done $0x0  }
0x97: {  	[sflag:s19] =	ssyncadd.s32 $0xFFFFF000  }
0x98: {  	[spmem:s3] =	stream.indirect.scatter.add.f32 [tilespmem:s30], [sflag:$0x3], $0x1, s20, s28, $0xb8;
	[tilespmem:$0x11580] =	vst v63  }
0x99: {  	_ =	swait.ge [sflag:s19], $0x80  }
0x9a: {  	[sflag:s19] =	ssyncset.done $0x0  }
0x9b: {  	s20 =	sadd.s32 $0x100, s5;
	[sflag:s19] =	ssyncadd.s32 $0xFFFFFF80  }
0x9c: {  	[tilespmem:s29], [sflag:$0x1] =	stream.indirect.gather [spmem:s2], $0x20, s20, s28, $0xb8;
	[tilespmem:$0x11580] =	vst v63  }
0x9d: {  	_ =	swait.ge [sflag:s26], $0x1000  }
0x9e: {  	[sflag:s26] =	ssyncset.done $0x0  }
0x9f: {  	s20 =	sadd.s32 $0x2880, s5;
	[sflag:s26] =	ssyncadd.s32 $0xFFFFF000  }
0xa0: {  	[spmem:s4] =	stream.indirect.scatter.add.f32 [tilespmem:s22], [sflag:$0x3], $0x20, s20, s28, $0xb8;
	[tilespmem:$0x11580] =	vst v63  }
0xa1: {  	_ =	swait.ge [sflag:s19], $0x1000  }
0xa2: {  	[sflag:s19] =	ssyncset.done $0x0  }
.Ltmp1:
0xa3: {  	[sflag:s19] =	ssyncadd.s32 $0xFFFFF000;
	(pc) =	sbr.rel @p0 .LBB2_4-.Ltmp1, $4  }
0xa4: {  	[spmem:s3] =	stream.indirect.scatter.add.f32 [tilespmem:s30], [sflag:$0x3], $0x1, s20, s28, $0xb8;
	[tilespmem:$0x11580] =	vst v63  }
0xa5: {  	_ =	swait.ge [sflag:s19], $0x80  }
0xa6: {  	[sflag:s19] =	ssyncset.done $0x0  }
0xa7: {  	s20 =	sadd.s32 $0x180, s5;
	[sflag:s19] =	ssyncadd.s32 $0xFFFFFF80  }
0xa8: {  	[tilespmem:s22], [sflag:$0x2] =	stream.indirect.gather [spmem:s2], $0x20, s20, s28, $0xb8;
	[tilespmem:$0x11580] =	vst v63  }
0xa9: {  	_ =	swait.ge [sflag:s24], $0x1000  }
0xaa: {  	[sflag:s24] =	ssyncset.done $0x0  }
0xab: {  	[sflag:s24] =	ssyncadd.s32 $0xFFFFF000  }
0xac: {  	[spmem:s4] =	stream.indirect.scatter.add.f32 [tilespmem:s29], [sflag:$0x3], $0x20, s31, s28, $0xb8;
	[tilespmem:$0x11580] =	vst v63  }
0xad: {  	_ =	swait.ge [sflag:s19], $0x1000  }
0xae: {  	[sflag:s19] =	ssyncset.done $0x0  }
0xaf: {  	[sflag:s19] =	ssyncadd.s32 $0xFFFFF000  }
0xb0: {  	[spmem:s3] =	stream.indirect.scatter.add.f32 [tilespmem:s30], [sflag:$0x3], $0x1, s31, s28, $0xb8;
	[tilespmem:$0x11580] =	vst v63  }
0xb1: {  	_ =	swait.ge [sflag:s19], $0x80  }
0xb2: {  	[sflag:s19] =	ssyncset.done $0x0  }
0xb3: {  	[sflag:s19] =	ssyncadd.s32 $0xFFFFFF80  }
0xb4: {  	_ =	swait.ge [sflag:s26], $0x1000  }
0xb5: {  	[sflag:s26] =	ssyncset.done $0x0  }
0xb6: {  	[sflag:s26] =	ssyncadd.s32 $0xFFFFF000  }
0xb7: {  	[spmem:s4] =	stream.indirect.scatter.add.f32 [tilespmem:s22], [sflag:$0x3], $0x20, s0, s28, $0xb8;
	[tilespmem:$0x11580] =	vst v63  }
0xb8: {  	_ =	swait.ge [sflag:s19], $0x1000  }
0xb9: {  	[sflag:s19] =	ssyncset.done $0x0  }
0xba: {  	[sflag:s19] =	ssyncadd.s32 $0xFFFFF000  }
0xbb: {  	[spmem:s3] =	stream.indirect.scatter.add.f32 [tilespmem:s30], [sflag:$0x3], $0x1, s0, s28, $0xb8;
	[tilespmem:$0x11580] =	vst v63  }
0xbc: {  	_ =	swait.ge [sflag:s19], $0x80  }
0xbd: {  	[sflag:s19] =	ssyncset.done $0x0  }
0xbe: {  	[sflag:s19] =	ssyncadd.s32 $0xFFFFFF80  }
0xbf: {  	[bflag:$0x0] =	sbarrier.arrive $0xFFFF  }
0xc0: {  	[hbm:s21], [sflag:s9] =	dma.local [spmem:s25], $0xA00  }
0xc1: {  	s1 =	sadd.s32 $0x1, s1;
	_ =	swait.ge [sflag:s19], $0xA00  }
0xc2: {  	p0 =	sne.s32 s1, s12;
	[sflag:s19] =	ssyncset.done $0x0  }
.Ltmp2:
0xc3: {  	s5 =	sshrl.u32 s10, $0x3;
	[sflag:s19] =	ssyncadd.s32 $0xFFFFF600;
	(pc) =	sbr.rel @p0 .LBB2_1-.Ltmp2, $4  }
0xc4: {  	[hbm:s23], [sflag:s9] =	dma.local [spmem:s5], $0x50  }
0xc5: {  	_ =	swait.ge [sflag:s19], $0x50  }
0xc6: {  	[sflag:s19] =	ssyncset.done $0x0  }
0xc7: {  	[sflag:s19] =	ssyncadd.s32 $0xFFFFFFB0  }
0xc8: {  	_ =	sfence.sel $0x180000  }
0xc9: {  	[bflag:$0x0] =	sbarrier.arrive $0xFFFF  }
0xca: {  	_ =	strace $0x90000047  }
0xcb: {  	s0 =	stileid.u32;
	[bflag:$0x2] =	sbarrier.arrive $0xFFFF  }
0xcc: {  	p0 =	sne.s32 s0, $0x0;
	s0 =	rddreg [dreg:$0x5]  }
0xcd: {  	s0 =	sadd.s32 @!p0 $0x100000, s0  }
0xce: {  	[sflag:s0] =	ssyncadd.tile.s32 @!p0 $0x1;
	_ =	shalt  }
.Lfunc_end2:
_tile_overlayer_lowered:
.L_overlay_start_2:
0xcf: {  	(tag) =	ssettag $0x2  }
0xd0: {  	s0 =	rddreg [dreg:$0x0];
	s2 =	stileid.u32  }
0xd1: {  	s1 =	rddreg [dreg:$0x1];
	p0 =	sne.s32 s2, $0x0  }
0xd2: {  	s3 =	rddreg [dreg:$0x2];
	[bflag:$0x3] =	sbarrier.arrive $0xFFFF;
	s2 =	simm.s32 @!p0 $0x1C03  }
0xd3: {  	[timem:s3], [sflag:s2] =	dma.local @!p0 [hbm:s0], s1  }
0xd4: {  	s0 =	simm.s32 @!p0 $0x3  }
0xd5: {  	_ =	swait.ge @!p0 [sflag:s0], s1  }
0xd6: {  	s1 =	ssub.s32 @!p0 $0x0, s1;
	[sflag:s0] =	ssyncset.done @!p0 $0x0  }
0xd7: {  	[sflag:s0] =	ssyncadd.s32 @!p0 s1  }
0xd8: {  	[bflag:$0x3] =	sbarrier.arrive $0xFFFF  }
0xd9: {  	_ =	shalt  }

</sc_bundles>
